<compile_context>
chip_gen: v7x
topology: tpu7x:2x2x1
jax: 0.10.2.dev20260603
libtpu: 0.0.44.dev20260713+nightly
codegen_flags: <defaults>
</compile_context>

<pallas_src>
import jax
import jax.numpy as jnp
from jax import lax
from jax.experimental import pallas as pl
from jax.experimental.pallas import tpu as pltpu
from jax.experimental.pallas import tpu_sc as plsc

D_MODEL = 128
SEQ_LEN = 200
BATCH = 1024

HALF = SEQ_LEN // 2
LANES = 16
VPR = D_MODEL // LANES
SCALE = float(D_MODEL) ** 0.5
NBUF = 3


NSTREAM = 4
SUB = SEQ_LEN // NSTREAM


def _gather(table_hbm, idx, rows, sem):
  for t in range(NSTREAM):
    pltpu.async_copy(
        table_hbm.at[idx.at[t]], rows.at[pl.ds(t * SUB, SUB)], sem)


def _wait_gather(table_hbm, idx, rows, sem):
  for t in range(NSTREAM):
    pltpu.make_async_copy(
        table_hbm.at[idx.at[t]], rows.at[pl.ds(t * SUB, SUB)], sem).wait()


def _body(ids_hbm, table_hbm, pos_hbm, out_hbm,
          idx0, idx1, idx2, rows0, rows1, rows2, pos_v,
          si0, si1, si2, sg0, sg1, sg2, so0, so1, so2):
  info = plsc.get_sparse_core_info()
  nc = info.num_cores
  wid = lax.axis_index("s") * nc + lax.axis_index("c")
  per_w = BATCH // (nc * info.num_subcores)
  base = wid * per_w

  pltpu.sync_copy(pos_hbm, pos_v)

  idxs = (idx0, idx1, idx2)
  rows = (rows0, rows1, rows2)
  sidx = (si0, si1, si2)
  sgat = (sg0, sg1, sg2)
  sout = (so0, so1, so2)

  def wait_idx(b):
    pltpu.make_async_copy(ids_hbm.at[base], idxs[b], sidx[b]).wait()

  pltpu.async_copy(ids_hbm.at[base], idx0, si0)
  pltpu.async_copy(ids_hbm.at[base + 1], idx1, si1)
  wait_idx(0)
  _gather(table_hbm, idx0, rows0, sg0)

  def compute(buf):
    @plsc.parallel_loop(0, SEQ_LEN, unroll=4)
    def row_body(r):
      for k in range(VPR):
        sl = pl.ds(k * LANES, LANES)
        buf[r, sl] = buf[r, sl] * SCALE + pos_v[r, sl]

  def outer(i, carry):
    for b in range(NBUF):
      j = NBUF * i + b

      @pl.when(j < per_w)
      def _slot():
        bn = (b + 1) % NBUF
        bn2 = (b + 2) % NBUF

        @pl.when(j + 1 < per_w)
        def _prefetch():
          wait_idx(bn)

          @pl.when(j >= 2)
          def _drain():
            pltpu.make_async_copy(
                rows[bn],
                out_hbm.at[pl.ds((base + j - 2) * SEQ_LEN, SEQ_LEN)],
                sout[bn]).wait()

          _gather(table_hbm, idxs[bn], rows[bn], sgat[bn])

          @pl.when(j + 2 < per_w)
          def _idx_prefetch():
            pltpu.async_copy(ids_hbm.at[base + j + 2], idxs[bn2], sidx[bn2])

        _wait_gather(table_hbm, idxs[b], rows[b], sgat[b])
        compute(rows[b])
        pltpu.async_copy(
            rows[b], out_hbm.at[pl.ds((base + j) * SEQ_LEN, SEQ_LEN)],
            sout[b])
    return carry

  lax.fori_loop(0, (per_w + NBUF - 1) // NBUF, outer, None)

  for t in range(NBUF):
    j = per_w - NBUF + t
    pltpu.make_async_copy(
        rows[j % NBUF],
        out_hbm.at[pl.ds((base + j) * SEQ_LEN, SEQ_LEN)],
        sout[j % NBUF]).wait()


@jax.jit
def kernel(input_ids, token_table, pos_table):
  batch, seq_len = input_ids.shape
  ids3d = input_ids.reshape(batch, NSTREAM, SUB).astype(jnp.int32)
  pos = pos_table[:seq_len]

  mesh = plsc.VectorSubcoreMesh(core_axis_name="c", subcore_axis_name="s")
  out = pl.kernel(
      _body,
      out_type=jax.ShapeDtypeStruct((batch * seq_len, D_MODEL), jnp.float32),
      mesh=mesh,
      scratch_types=[
          pltpu.VMEM((NSTREAM, SUB), jnp.int32),
          pltpu.VMEM((NSTREAM, SUB), jnp.int32),
          pltpu.VMEM((NSTREAM, SUB), jnp.int32),
          pltpu.VMEM((SEQ_LEN, D_MODEL), jnp.float32),
          pltpu.VMEM((SEQ_LEN, D_MODEL), jnp.float32),
          pltpu.VMEM((SEQ_LEN, D_MODEL), jnp.float32),
          pltpu.VMEM((SEQ_LEN, D_MODEL), jnp.float32),
          pltpu.SemaphoreType.DMA,
          pltpu.SemaphoreType.DMA,
          pltpu.SemaphoreType.DMA,
          pltpu.SemaphoreType.DMA,
          pltpu.SemaphoreType.DMA,
          pltpu.SemaphoreType.DMA,
          pltpu.SemaphoreType.DMA,
          pltpu.SemaphoreType.DMA,
          pltpu.SemaphoreType.DMA,
      ],
  )(ids3d, token_table, pos)
  return out.reshape(batch, seq_len, D_MODEL)

# --- scband reference (transcript-rebuilt; emitter-appended) ---
"""Pipeline reference for scband-input-embedding-33818572489169 (READ-ONLY COPY).

The authoritative reference and input builder live on the scoring server;
editing this copy changes nothing except your own understanding.
"""

import jax, jax.numpy as jnp
import numpy as np

VOCAB_SIZE = 100000
D_MODEL = 128
MAX_SEQ_LEN = 512
BATCH = 1024
SEQ_LEN = 200


def setup_inputs(seed: int = 0) -> dict:
    key = jax.random.key(seed)
    k1, k2, k3 = jax.random.split(key, 3)
    input_ids = jax.random.randint(k1, (BATCH, SEQ_LEN), 0, VOCAB_SIZE, dtype=jnp.int64 if jax.config.jax_enable_x64 else jnp.int32)
    token_table = jax.random.normal(k2, (VOCAB_SIZE, D_MODEL), dtype=jnp.float32) * 0.02
    pos_table = jax.random.normal(k3, (MAX_SEQ_LEN, D_MODEL), dtype=jnp.float32) * 0.02
    return {"input_ids": input_ids, "token_table": token_table, "pos_table": pos_table}


def reference(input_ids, token_table, pos_table):
    batch_size, seq_len = input_ids.shape
    scale = D_MODEL ** 0.5
    token_embeds = jnp.take(token_table, input_ids, axis=0) * scale
    position_ids = jnp.arange(seq_len)
    pos_embeds = jnp.take(pos_table, position_ids, axis=0)[None, :, :]
    embeddings = token_embeds + pos_embeds
    return embeddings

if __name__ == "__main__":
    import jax
    _d = setup_inputs()
    print(jax.jit(kernel)(*tuple(_d.values())))

</pallas_src>

<mosaic_0001>
#map = affine_map<(d0, d1) -> (0, 0, 0)>
#map1 = affine_map<(d0, d1) -> (0, 0)>
module attributes {stable_mosaic.version = 14 : i64} {
  func.func @_body(%arg0: i32, %arg1: i32, %arg2: memref<1024x4x50xi32, #tpu.memory_space<hbm>>, %arg3: memref<100000x128xf32, #tpu.memory_space<hbm>>, %arg4: memref<200x128xf32, #tpu.memory_space<hbm>>, %arg5: memref<204800x128xf32, #tpu.memory_space<hbm>>, %arg6: memref<4x50xi32, #tpu.memory_space<vmem>>, %arg7: memref<4x50xi32, #tpu.memory_space<vmem>>, %arg8: memref<4x50xi32, #tpu.memory_space<vmem>>, %arg9: memref<200x128xf32, #tpu.memory_space<vmem>>, %arg10: memref<200x128xf32, #tpu.memory_space<vmem>>, %arg11: memref<200x128xf32, #tpu.memory_space<vmem>>, %arg12: memref<200x128xf32, #tpu.memory_space<vmem>>, %arg13: memref<!tpu.dma_semaphore, #tpu.memory_space<semaphore_mem>>, %arg14: memref<!tpu.dma_semaphore, #tpu.memory_space<semaphore_mem>>, %arg15: memref<!tpu.dma_semaphore, #tpu.memory_space<semaphore_mem>>, %arg16: memref<!tpu.dma_semaphore, #tpu.memory_space<semaphore_mem>>, %arg17: memref<!tpu.dma_semaphore, #tpu.memory_space<semaphore_mem>>, %arg18: memref<!tpu.dma_semaphore, #tpu.memory_space<semaphore_mem>>, %arg19: memref<!tpu.dma_semaphore, #tpu.memory_space<semaphore_mem>>, %arg20: memref<!tpu.dma_semaphore, #tpu.memory_space<semaphore_mem>>, %arg21: memref<!tpu.dma_semaphore, #tpu.memory_space<semaphore_mem>>) attributes {dimension_semantics = [#tpu.dimension_semantics<core_parallel>, #tpu.dimension_semantics<subcore_parallel>], iteration_bounds = array<i64: 2, 16>, scalar_prefetch = 0 : i64, scratch_operands = 16 : i64, tpu.core_type = #tpu.core_type<sc_vector_subcore>, window_params = [{transform_indices = #map}, {transform_indices = #map1}, {transform_indices = #map1}, {transform_indices = #map1}]} {
    %mul3A = arith.constant 2 : i32
    %mul3A_0 = arith.muli %arg1, %mul3A : i32
    %add3A = arith.addi %mul3A_0, %arg0 : i32
    %mul3A_1 = arith.constant 32 : i32
    %mul3A_2 = arith.muli %add3A, %mul3A_1 : i32
    "tpu.region"() ({
      %run_scoped3A = tpu.sem_alloc : memref<!tpu.dma_semaphore, #tpu.memory_space<semaphore_mem>>
      tpu.enqueue_dma source(%arg4 : memref<200x128xf32, #tpu.memory_space<hbm>>) target(%arg12 : memref<200x128xf32, #tpu.memory_space<vmem>>) target_semaphore(%run_scoped3A : memref<!tpu.dma_semaphore, #tpu.memory_space<semaphore_mem>>)
      tpu.wait_dma2 semaphore(%run_scoped3A : memref<!tpu.dma_semaphore, #tpu.memory_space<semaphore_mem>>) src(%arg4 : memref<200x128xf32, #tpu.memory_space<hbm>>) dst(%arg12 : memref<200x128xf32, #tpu.memory_space<vmem>>)
      tpu.yield
    }) : () -> ()
    %dma_start3A = arith.constant 0 : i32
    %dma_start3A_3 = arith.constant 0 : i32
    %dma_start3A_4 = tpu.memref_slice %arg2[%mul3A_2, %dma_start3A, %dma_start3A_3] : memref<1024x4x50xi32, #tpu.memory_space<hbm>> -> memref<1x4x50xi32, #tpu.memory_space<hbm>>
    %dma_start3A_5 = tpu.memref_squeeze %dma_start3A_4 : memref<1x4x50xi32, #tpu.memory_space<hbm>> -> memref<4x50xi32, #tpu.memory_space<hbm>>
    %dma_start3A_6 = arith.constant 0 : i32
    %dma_start3A_7 = arith.constant 0 : i32
    %dma_start3A_8 = tpu.memref_slice %arg2[%mul3A_2, %dma_start3A_6, %dma_start3A_7] : memref<1024x4x50xi32, #tpu.memory_space<hbm>> -> memref<1x4x50xi32, #tpu.memory_space<hbm>>
    %dma_start3A_9 = tpu.memref_squeeze %dma_start3A_8 : memref<1x4x50xi32, #tpu.memory_space<hbm>> -> memref<4x50xi32, #tpu.memory_space<hbm>>
    tpu.enqueue_dma source(%dma_start3A_9 : memref<4x50xi32, #tpu.memory_space<hbm>>) target(%arg6 : memref<4x50xi32, #tpu.memory_space<vmem>>) target_semaphore(%arg13 : memref<!tpu.dma_semaphore, #tpu.memory_space<semaphore_mem>>)
    %add3A_10 = arith.constant 1 : i32
    %add3A_11 = arith.addi %mul3A_2, %add3A_10 : i32
    %dma_start3A_12 = arith.constant 0 : i32
    %dma_start3A_13 = arith.constant 0 : i32
    %dma_start3A_14 = tpu.memref_slice %arg2[%add3A_11, %dma_start3A_12, %dma_start3A_13] : memref<1024x4x50xi32, #tpu.memory_space<hbm>> -> memref<1x4x50xi32, #tpu.memory_space<hbm>>
    %dma_start3A_15 = tpu.memref_squeeze %dma_start3A_14 : memref<1x4x50xi32, #tpu.memory_space<hbm>> -> memref<4x50xi32, #tpu.memory_space<hbm>>
    %dma_start3A_16 = arith.constant 0 : i32
    %dma_start3A_17 = arith.constant 0 : i32
    %dma_start3A_18 = tpu.memref_slice %arg2[%add3A_11, %dma_start3A_16, %dma_start3A_17] : memref<1024x4x50xi32, #tpu.memory_space<hbm>> -> memref<1x4x50xi32, #tpu.memory_space<hbm>>
    %dma_start3A_19 = tpu.memref_squeeze %dma_start3A_18 : memref<1x4x50xi32, #tpu.memory_space<hbm>> -> memref<4x50xi32, #tpu.memory_space<hbm>>
    tpu.enqueue_dma source(%dma_start3A_19 : memref<4x50xi32, #tpu.memory_space<hbm>>) target(%arg7 : memref<4x50xi32, #tpu.memory_space<vmem>>) target_semaphore(%arg14 : memref<!tpu.dma_semaphore, #tpu.memory_space<semaphore_mem>>)
    %dma_wait3A = arith.constant 0 : i32
    %dma_wait3A_20 = arith.constant 0 : i32
    %dma_wait3A_21 = tpu.memref_slice %arg2[%mul3A_2, %dma_wait3A, %dma_wait3A_20] : memref<1024x4x50xi32, #tpu.memory_space<hbm>> -> memref<1x4x50xi32, #tpu.memory_space<hbm>>
    %dma_wait3A_22 = tpu.memref_squeeze %dma_wait3A_21 : memref<1x4x50xi32, #tpu.memory_space<hbm>> -> memref<4x50xi32, #tpu.memory_space<hbm>>
    %dma_wait3A_23 = arith.constant 0 : i32
    %dma_wait3A_24 = arith.constant 0 : i32
    %dma_wait3A_25 = tpu.memref_slice %arg2[%mul3A_2, %dma_wait3A_23, %dma_wait3A_24] : memref<1024x4x50xi32, #tpu.memory_space<hbm>> -> memref<1x4x50xi32, #tpu.memory_space<hbm>>
    %dma_wait3A_26 = tpu.memref_squeeze %dma_wait3A_25 : memref<1x4x50xi32, #tpu.memory_space<hbm>> -> memref<4x50xi32, #tpu.memory_space<hbm>>
    tpu.wait_dma2 semaphore(%arg13 : memref<!tpu.dma_semaphore, #tpu.memory_space<semaphore_mem>>) src(%dma_wait3A_26 : memref<4x50xi32, #tpu.memory_space<hbm>>) dst(%arg6 : memref<4x50xi32, #tpu.memory_space<vmem>>)
    %dma_start3A_27 = arith.constant 0 : i32
    %dma_start3A_28 = arith.constant 0 : i32
    %dma_start3A_29 = arith.constant 0 : i32
    %dma_start3A_30 = tpu.memref_slice %arg9[%dma_start3A_28, %dma_start3A_29] : memref<200x128xf32, #tpu.memory_space<vmem>> -> memref<50x128xf32, #tpu.memory_space<vmem>>
    %dma_start3A_31 = arith.constant 0 : i32
    %dma_start3A_32 = tpu.memref_slice %arg6[%dma_start3A_27, %dma_start3A_31] : memref<4x50xi32, #tpu.memory_space<vmem>> -> memref<1x50xi32, #tpu.memory_space<vmem>>
    %dma_start3A_33 = tpu.memref_squeeze %dma_start3A_32 : memref<1x50xi32, #tpu.memory_space<vmem>> -> memref<50xi32, #tpu.memory_space<vmem>>
    %dma_start3A_34 = arith.constant 0 : i32
    %dma_start3A_35 = arith.constant 0 : i32
    %dma_start3A_36 = tpu.memref_slice %arg3[%dma_start3A_34, %dma_start3A_35] : memref<100000x128xf32, #tpu.memory_space<hbm>> -> memref<100000x128xf32, #tpu.memory_space<hbm>>
    tpu.enqueue_indirect_dma source(%dma_start3A_36 : memref<100000x128xf32, #tpu.memory_space<hbm>>) target(%dma_start3A_30 : memref<50x128xf32, #tpu.memory_space<vmem>>) offsets(%dma_start3A_33 : memref<50xi32, #tpu.memory_space<vmem>>) semaphore(%arg16 : memref<!tpu.dma_semaphore, #tpu.memory_space<semaphore_mem>>)
    %dma_start3A_37 = arith.constant 1 : i32
    %dma_start3A_38 = arith.constant 50 : i32
    %dma_start3A_39 = arith.constant 0 : i32
    %dma_start3A_40 = tpu.memref_slice %arg9[%dma_start3A_38, %dma_start3A_39] : memref<200x128xf32, #tpu.memory_space<vmem>> -> memref<50x128xf32, #tpu.memory_space<vmem>>
    %dma_start3A_41 = arith.constant 0 : i32
    %dma_start3A_42 = tpu.memref_slice %arg6[%dma_start3A_37, %dma_start3A_41] : memref<4x50xi32, #tpu.memory_space<vmem>> -> memref<1x50xi32, #tpu.memory_space<vmem>>
    %dma_start3A_43 = tpu.memref_squeeze %dma_start3A_42 : memref<1x50xi32, #tpu.memory_space<vmem>> -> memref<50xi32, #tpu.memory_space<vmem>>
    %dma_start3A_44 = arith.constant 0 : i32
    %dma_start3A_45 = arith.constant 0 : i32
    %dma_start3A_46 = tpu.memref_slice %arg3[%dma_start3A_44, %dma_start3A_45] : memref<100000x128xf32, #tpu.memory_space<hbm>> -> memref<100000x128xf32, #tpu.memory_space<hbm>>
    tpu.enqueue_indirect_dma source(%dma_start3A_46 : memref<100000x128xf32, #tpu.memory_space<hbm>>) target(%dma_start3A_40 : memref<50x128xf32, #tpu.memory_space<vmem>>) offsets(%dma_start3A_43 : memref<50xi32, #tpu.memory_space<vmem>>) semaphore(%arg16 : memref<!tpu.dma_semaphore, #tpu.memory_space<semaphore_mem>>)
    %dma_start3A_47 = arith.constant 2 : i32
    %dma_start3A_48 = arith.constant 100 : i32
    %dma_start3A_49 = arith.constant 0 : i32
    %dma_start3A_50 = tpu.memref_slice %arg9[%dma_start3A_48, %dma_start3A_49] : memref<200x128xf32, #tpu.memory_space<vmem>> -> memref<50x128xf32, #tpu.memory_space<vmem>>
    %dma_start3A_51 = arith.constant 0 : i32
    %dma_start3A_52 = tpu.memref_slice %arg6[%dma_start3A_47, %dma_start3A_51] : memref<4x50xi32, #tpu.memory_space<vmem>> -> memref<1x50xi32, #tpu.memory_space<vmem>>
    %dma_start3A_53 = tpu.memref_squeeze %dma_start3A_52 : memref<1x50xi32, #tpu.memory_space<vmem>> -> memref<50xi32, #tpu.memory_space<vmem>>
    %dma_start3A_54 = arith.constant 0 : i32
    %dma_start3A_55 = arith.constant 0 : i32
    %dma_start3A_56 = tpu.memref_slice %arg3[%dma_start3A_54, %dma_start3A_55] : memref<100000x128xf32, #tpu.memory_space<hbm>> -> memref<100000x128xf32, #tpu.memory_space<hbm>>
    tpu.enqueue_indirect_dma source(%dma_start3A_56 : memref<100000x128xf32, #tpu.memory_space<hbm>>) target(%dma_start3A_50 : memref<50x128xf32, #tpu.memory_space<vmem>>) offsets(%dma_start3A_53 : memref<50xi32, #tpu.memory_space<vmem>>) semaphore(%arg16 : memref<!tpu.dma_semaphore, #tpu.memory_space<semaphore_mem>>)
    %dma_start3A_57 = arith.constant 3 : i32
    %dma_start3A_58 = arith.constant 150 : i32
    %dma_start3A_59 = arith.constant 0 : i32
    %dma_start3A_60 = tpu.memref_slice %arg9[%dma_start3A_58, %dma_start3A_59] : memref<200x128xf32, #tpu.memory_space<vmem>> -> memref<50x128xf32, #tpu.memory_space<vmem>>
    %dma_start3A_61 = arith.constant 0 : i32
    %dma_start3A_62 = tpu.memref_slice %arg6[%dma_start3A_57, %dma_start3A_61] : memref<4x50xi32, #tpu.memory_space<vmem>> -> memref<1x50xi32, #tpu.memory_space<vmem>>
    %dma_start3A_63 = tpu.memref_squeeze %dma_start3A_62 : memref<1x50xi32, #tpu.memory_space<vmem>> -> memref<50xi32, #tpu.memory_space<vmem>>
    %dma_start3A_64 = arith.constant 0 : i32
    %dma_start3A_65 = arith.constant 0 : i32
    %dma_start3A_66 = tpu.memref_slice %arg3[%dma_start3A_64, %dma_start3A_65] : memref<100000x128xf32, #tpu.memory_space<hbm>> -> memref<100000x128xf32, #tpu.memory_space<hbm>>
    tpu.enqueue_indirect_dma source(%dma_start3A_66 : memref<100000x128xf32, #tpu.memory_space<hbm>>) target(%dma_start3A_60 : memref<50x128xf32, #tpu.memory_space<vmem>>) offsets(%dma_start3A_63 : memref<50xi32, #tpu.memory_space<vmem>>) semaphore(%arg16 : memref<!tpu.dma_semaphore, #tpu.memory_space<semaphore_mem>>)
    %scan3A = arith.constant 0 : i32
    %scan3A_67 = arith.constant 11 : i32
    %scan3A_68 = arith.addi %scan3A, %scan3A_67 : i32
    %scan3A_69 = arith.constant 1 : i32
    scf.for %scan3A_95 = %scan3A to %scan3A_68 step %scan3A_69  : i32 {
      %mul3A_96 = arith.constant 3 : i32
      %mul3A_97 = arith.muli %mul3A_96, %scan3A_95 : i32
      %add3A_98 = arith.constant 0 : i32
      %add3A_99 = arith.addi %mul3A_97, %add3A_98 : i32
      %lt3A = arith.constant 32 : i32
      %lt3A_100 = arith.cmpi slt, %add3A_99, %lt3A : i32
      %convert_element_type3A = arith.extui %lt3A_100 : i1 to i32
      %cond3A = arith.constant 0 : i32
      %cond3A_101 = arith.cmpi ne, %convert_element_type3A, %cond3A : i32
      scf.if %cond3A_101 {
        %add3A_120 = arith.constant 1 : i32
        %add3A_121 = arith.addi %add3A_99, %add3A_120 : i32
        %lt3A_122 = arith.constant 32 : i32
        %lt3A_123 = arith.cmpi slt, %add3A_121, %lt3A_122 : i32
        %convert_element_type3A_124 = arith.extui %lt3A_123 : i1 to i32
        %cond3A_125 = arith.constant 0 : i32
        %cond3A_126 = arith.cmpi ne, %convert_element_type3A_124, %cond3A_125 : i32
        scf.if %cond3A_126 {
          %dma_wait3A_176 = arith.constant 0 : i32
          %dma_wait3A_177 = arith.constant 0 : i32
          %dma_wait3A_178 = tpu.memref_slice %arg2[%mul3A_2, %dma_wait3A_176, %dma_wait3A_177] : memref<1024x4x50xi32, #tpu.memory_space<hbm>> -> memref<1x4x50xi32, #tpu.memory_space<hbm>>
          %dma_wait3A_179 = tpu.memref_squeeze %dma_wait3A_178 : memref<1x4x50xi32, #tpu.memory_space<hbm>> -> memref<4x50xi32, #tpu.memory_space<hbm>>
          %dma_wait3A_180 = arith.constant 0 : i32
          %dma_wait3A_181 = arith.constant 0 : i32
          %dma_wait3A_182 = tpu.memref_slice %arg2[%mul3A_2, %dma_wait3A_180, %dma_wait3A_181] : memref<1024x4x50xi32, #tpu.memory_space<hbm>> -> memref<1x4x50xi32, #tpu.memory_space<hbm>>
          %dma_wait3A_183 = tpu.memref_squeeze %dma_wait3A_182 : memref<1x4x50xi32, #tpu.memory_space<hbm>> -> memref<4x50xi32, #tpu.memory_space<hbm>>
          tpu.wait_dma2 semaphore(%arg14 : memref<!tpu.dma_semaphore, #tpu.memory_space<semaphore_mem>>) src(%dma_wait3A_183 : memref<4x50xi32, #tpu.memory_space<hbm>>) dst(%arg7 : memref<4x50xi32, #tpu.memory_space<vmem>>)
          %ge3A = arith.constant 2 : i32
          %ge3A_184 = arith.cmpi sge, %add3A_99, %ge3A : i32
          %convert_element_type3A_185 = arith.extui %ge3A_184 : i1 to i32
          %cond3A_186 = arith.constant 0 : i32
          %cond3A_187 = arith.cmpi ne, %convert_element_type3A_185, %cond3A_186 : i32
          scf.if %cond3A_187 {
            %add3A_235 = arith.addi %mul3A_2, %add3A_99 : i32
            %sub3A = arith.constant 2 : i32
            %sub3A_236 = arith.subi %add3A_235, %sub3A : i32
            %mul3A_237 = arith.constant 200 : i32
            %mul3A_238 = arith.muli %sub3A_236, %mul3A_237 : i32
            %dma_wait3A_239 = arith.constant 0 : i32
            %dma_wait3A_240 = tpu.memref_slice %arg5[%mul3A_238, %dma_wait3A_239] : memref<204800x128xf32, #tpu.memory_space<hbm>> -> memref<200x128xf32, #tpu.memory_space<hbm>>
            %dma_wait3A_241 = arith.constant 0 : i32
            %dma_wait3A_242 = tpu.memref_slice %arg5[%mul3A_238, %dma_wait3A_241] : memref<204800x128xf32, #tpu.memory_space<hbm>> -> memref<200x128xf32, #tpu.memory_space<hbm>>
            tpu.wait_dma2 semaphore(%arg20 : memref<!tpu.dma_semaphore, #tpu.memory_space<semaphore_mem>>) src(%arg10 : memref<200x128xf32, #tpu.memory_space<vmem>>) dst(%dma_wait3A_242 : memref<200x128xf32, #tpu.memory_space<hbm>>)
          } else {
          }
          %dma_start3A_188 = arith.constant 0 : i32
          %dma_start3A_189 = arith.constant 0 : i32
          %dma_start3A_190 = arith.constant 0 : i32
          %dma_start3A_191 = tpu.memref_slice %arg10[%dma_start3A_189, %dma_start3A_190] : memref<200x128xf32, #tpu.memory_space<vmem>> -> memref<50x128xf32, #tpu.memory_space<vmem>>
          %dma_start3A_192 = arith.constant 0 : i32
          %dma_start3A_193 = tpu.memref_slice %arg7[%dma_start3A_188, %dma_start3A_192] : memref<4x50xi32, #tpu.memory_space<vmem>> -> memref<1x50xi32, #tpu.memory_space<vmem>>
          %dma_start3A_194 = tpu.memref_squeeze %dma_start3A_193 : memref<1x50xi32, #tpu.memory_space<vmem>> -> memref<50xi32, #tpu.memory_space<vmem>>
          %dma_start3A_195 = arith.constant 0 : i32
          %dma_start3A_196 = arith.constant 0 : i32
          %dma_start3A_197 = tpu.memref_slice %arg3[%dma_start3A_195, %dma_start3A_196] : memref<100000x128xf32, #tpu.memory_space<hbm>> -> memref<100000x128xf32, #tpu.memory_space<hbm>>
          tpu.enqueue_indirect_dma source(%dma_start3A_197 : memref<100000x128xf32, #tpu.memory_space<hbm>>) target(%dma_start3A_191 : memref<50x128xf32, #tpu.memory_space<vmem>>) offsets(%dma_start3A_194 : memref<50xi32, #tpu.memory_space<vmem>>) semaphore(%arg17 : memref<!tpu.dma_semaphore, #tpu.memory_space<semaphore_mem>>)
          %dma_start3A_198 = arith.constant 1 : i32
          %dma_start3A_199 = arith.constant 50 : i32
          %dma_start3A_200 = arith.constant 0 : i32
          %dma_start3A_201 = tpu.memref_slice %arg10[%dma_start3A_199, %dma_start3A_200] : memref<200x128xf32, #tpu.memory_space<vmem>> -> memref<50x128xf32, #tpu.memory_space<vmem>>
          %dma_start3A_202 = arith.constant 0 : i32
          %dma_start3A_203 = tpu.memref_slice %arg7[%dma_start3A_198, %dma_start3A_202] : memref<4x50xi32, #tpu.memory_space<vmem>> -> memref<1x50xi32, #tpu.memory_space<vmem>>
          %dma_start3A_204 = tpu.memref_squeeze %dma_start3A_203 : memref<1x50xi32, #tpu.memory_space<vmem>> -> memref<50xi32, #tpu.memory_space<vmem>>
          %dma_start3A_205 = arith.constant 0 : i32
          %dma_start3A_206 = arith.constant 0 : i32
          %dma_start3A_207 = tpu.memref_slice %arg3[%dma_start3A_205, %dma_start3A_206] : memref<100000x128xf32, #tpu.memory_space<hbm>> -> memref<100000x128xf32, #tpu.memory_space<hbm>>
          tpu.enqueue_indirect_dma source(%dma_start3A_207 : memref<100000x128xf32, #tpu.memory_space<hbm>>) target(%dma_start3A_201 : memref<50x128xf32, #tpu.memory_space<vmem>>) offsets(%dma_start3A_204 : memref<50xi32, #tpu.memory_space<vmem>>) semaphore(%arg17 : memref<!tpu.dma_semaphore, #tpu.memory_space<semaphore_mem>>)
          %dma_start3A_208 = arith.constant 2 : i32
          %dma_start3A_209 = arith.constant 100 : i32
          %dma_start3A_210 = arith.constant 0 : i32
          %dma_start3A_211 = tpu.memref_slice %arg10[%dma_start3A_209, %dma_start3A_210] : memref<200x128xf32, #tpu.memory_space<vmem>> -> memref<50x128xf32, #tpu.memory_space<vmem>>
          %dma_start3A_212 = arith.constant 0 : i32
          %dma_start3A_213 = tpu.memref_slice %arg7[%dma_start3A_208, %dma_start3A_212] : memref<4x50xi32, #tpu.memory_space<vmem>> -> memref<1x50xi32, #tpu.memory_space<vmem>>
          %dma_start3A_214 = tpu.memref_squeeze %dma_start3A_213 : memref<1x50xi32, #tpu.memory_space<vmem>> -> memref<50xi32, #tpu.memory_space<vmem>>
          %dma_start3A_215 = arith.constant 0 : i32
          %dma_start3A_216 = arith.constant 0 : i32
          %dma_start3A_217 = tpu.memref_slice %arg3[%dma_start3A_215, %dma_start3A_216] : memref<100000x128xf32, #tpu.memory_space<hbm>> -> memref<100000x128xf32, #tpu.memory_space<hbm>>
          tpu.enqueue_indirect_dma source(%dma_start3A_217 : memref<100000x128xf32, #tpu.memory_space<hbm>>) target(%dma_start3A_211 : memref<50x128xf32, #tpu.memory_space<vmem>>) offsets(%dma_start3A_214 : memref<50xi32, #tpu.memory_space<vmem>>) semaphore(%arg17 : memref<!tpu.dma_semaphore, #tpu.memory_space<semaphore_mem>>)
          %dma_start3A_218 = arith.constant 3 : i32
          %dma_start3A_219 = arith.constant 150 : i32
          %dma_start3A_220 = arith.constant 0 : i32
          %dma_start3A_221 = tpu.memref_slice %arg10[%dma_start3A_219, %dma_start3A_220] : memref<200x128xf32, #tpu.memory_space<vmem>> -> memref<50x128xf32, #tpu.memory_space<vmem>>
          %dma_start3A_222 = arith.constant 0 : i32
          %dma_start3A_223 = tpu.memref_slice %arg7[%dma_start3A_218, %dma_start3A_222] : memref<4x50xi32, #tpu.memory_space<vmem>> -> memref<1x50xi32, #tpu.memory_space<vmem>>
          %dma_start3A_224 = tpu.memref_squeeze %dma_start3A_223 : memref<1x50xi32, #tpu.memory_space<vmem>> -> memref<50xi32, #tpu.memory_space<vmem>>
          %dma_start3A_225 = arith.constant 0 : i32
          %dma_start3A_226 = arith.constant 0 : i32
          %dma_start3A_227 = tpu.memref_slice %arg3[%dma_start3A_225, %dma_start3A_226] : memref<100000x128xf32, #tpu.memory_space<hbm>> -> memref<100000x128xf32, #tpu.memory_space<hbm>>
          tpu.enqueue_indirect_dma source(%dma_start3A_227 : memref<100000x128xf32, #tpu.memory_space<hbm>>) target(%dma_start3A_221 : memref<50x128xf32, #tpu.memory_space<vmem>>) offsets(%dma_start3A_224 : memref<50xi32, #tpu.memory_space<vmem>>) semaphore(%arg17 : memref<!tpu.dma_semaphore, #tpu.memory_space<semaphore_mem>>)
          %add3A_228 = arith.constant 2 : i32
          %add3A_229 = arith.addi %add3A_99, %add3A_228 : i32
          %lt3A_230 = arith.constant 32 : i32
          %lt3A_231 = arith.cmpi slt, %add3A_229, %lt3A_230 : i32
          %convert_element_type3A_232 = arith.extui %lt3A_231 : i1 to i32
          %cond3A_233 = arith.constant 0 : i32
          %cond3A_234 = arith.cmpi ne, %convert_element_type3A_232, %cond3A_233 : i32
          scf.if %cond3A_234 {
            %add3A_235 = arith.addi %mul3A_2, %add3A_99 : i32
            %add3A_236 = arith.constant 2 : i32
            %add3A_237 = arith.addi %add3A_235, %add3A_236 : i32
            %dma_start3A_238 = arith.constant 0 : i32
            %dma_start3A_239 = arith.constant 0 : i32
            %dma_start3A_240 = tpu.memref_slice %arg2[%add3A_237, %dma_start3A_238, %dma_start3A_239] : memref<1024x4x50xi32, #tpu.memory_space<hbm>> -> memref<1x4x50xi32, #tpu.memory_space<hbm>>
            %dma_start3A_241 = tpu.memref_squeeze %dma_start3A_240 : memref<1x4x50xi32, #tpu.memory_space<hbm>> -> memref<4x50xi32, #tpu.memory_space<hbm>>
            %dma_start3A_242 = arith.constant 0 : i32
            %dma_start3A_243 = arith.constant 0 : i32
            %dma_start3A_244 = tpu.memref_slice %arg2[%add3A_237, %dma_start3A_242, %dma_start3A_243] : memref<1024x4x50xi32, #tpu.memory_space<hbm>> -> memref<1x4x50xi32, #tpu.memory_space<hbm>>
            %dma_start3A_245 = tpu.memref_squeeze %dma_start3A_244 : memref<1x4x50xi32, #tpu.memory_space<hbm>> -> memref<4x50xi32, #tpu.memory_space<hbm>>
            tpu.enqueue_dma source(%dma_start3A_245 : memref<4x50xi32, #tpu.memory_space<hbm>>) target(%arg8 : memref<4x50xi32, #tpu.memory_space<vmem>>) target_semaphore(%arg15 : memref<!tpu.dma_semaphore, #tpu.memory_space<semaphore_mem>>)
          } else {
          }
        } else {
        }
        %dma_wait3A_127 = arith.constant 0 : i32
        %dma_wait3A_128 = arith.constant 0 : i32
        %dma_wait3A_129 = arith.constant 0 : i32
        %dma_wait3A_130 = tpu.memref_slice %arg9[%dma_wait3A_128, %dma_wait3A_129] : memref<200x128xf32, #tpu.memory_space<vmem>> -> memref<50x128xf32, #tpu.memory_space<vmem>>
        %dma_wait3A_131 = arith.constant 0 : i32
        %dma_wait3A_132 = tpu.memref_slice %arg6[%dma_wait3A_127, %dma_wait3A_131] : memref<4x50xi32, #tpu.memory_space<vmem>> -> memref<1x50xi32, #tpu.memory_space<vmem>>
        %dma_wait3A_133 = tpu.memref_squeeze %dma_wait3A_132 : memref<1x50xi32, #tpu.memory_space<vmem>> -> memref<50xi32, #tpu.memory_space<vmem>>
        %dma_wait3A_134 = arith.constant 0 : i32
        %dma_wait3A_135 = arith.constant 0 : i32
        %dma_wait3A_136 = tpu.memref_slice %arg3[%dma_wait3A_134, %dma_wait3A_135] : memref<100000x128xf32, #tpu.memory_space<hbm>> -> memref<100000x128xf32, #tpu.memory_space<hbm>>
        tpu.wait_indirect_dma semaphore(%arg16 : memref<!tpu.dma_semaphore, #tpu.memory_space<semaphore_mem>>) src(%dma_wait3A_136 : memref<100000x128xf32, #tpu.memory_space<hbm>>) dst(%dma_wait3A_130 : memref<50x128xf32, #tpu.memory_space<vmem>>)
        %dma_wait3A_137 = arith.constant 1 : i32
        %dma_wait3A_138 = arith.constant 50 : i32
        %dma_wait3A_139 = arith.constant 0 : i32
        %dma_wait3A_140 = tpu.memref_slice %arg9[%dma_wait3A_138, %dma_wait3A_139] : memref<200x128xf32, #tpu.memory_space<vmem>> -> memref<50x128xf32, #tpu.memory_space<vmem>>
        %dma_wait3A_141 = arith.constant 0 : i32
        %dma_wait3A_142 = tpu.memref_slice %arg6[%dma_wait3A_137, %dma_wait3A_141] : memref<4x50xi32, #tpu.memory_space<vmem>> -> memref<1x50xi32, #tpu.memory_space<vmem>>
        %dma_wait3A_143 = tpu.memref_squeeze %dma_wait3A_142 : memref<1x50xi32, #tpu.memory_space<vmem>> -> memref<50xi32, #tpu.memory_space<vmem>>
        %dma_wait3A_144 = arith.constant 0 : i32
        %dma_wait3A_145 = arith.constant 0 : i32
        %dma_wait3A_146 = tpu.memref_slice %arg3[%dma_wait3A_144, %dma_wait3A_145] : memref<100000x128xf32, #tpu.memory_space<hbm>> -> memref<100000x128xf32, #tpu.memory_space<hbm>>
        tpu.wait_indirect_dma semaphore(%arg16 : memref<!tpu.dma_semaphore, #tpu.memory_space<semaphore_mem>>) src(%dma_wait3A_146 : memref<100000x128xf32, #tpu.memory_space<hbm>>) dst(%dma_wait3A_140 : memref<50x128xf32, #tpu.memory_space<vmem>>)
        %dma_wait3A_147 = arith.constant 2 : i32
        %dma_wait3A_148 = arith.constant 100 : i32
        %dma_wait3A_149 = arith.constant 0 : i32
        %dma_wait3A_150 = tpu.memref_slice %arg9[%dma_wait3A_148, %dma_wait3A_149] : memref<200x128xf32, #tpu.memory_space<vmem>> -> memref<50x128xf32, #tpu.memory_space<vmem>>
        %dma_wait3A_151 = arith.constant 0 : i32
        %dma_wait3A_152 = tpu.memref_slice %arg6[%dma_wait3A_147, %dma_wait3A_151] : memref<4x50xi32, #tpu.memory_space<vmem>> -> memref<1x50xi32, #tpu.memory_space<vmem>>
        %dma_wait3A_153 = tpu.memref_squeeze %dma_wait3A_152 : memref<1x50xi32, #tpu.memory_space<vmem>> -> memref<50xi32, #tpu.memory_space<vmem>>
        %dma_wait3A_154 = arith.constant 0 : i32
        %dma_wait3A_155 = arith.constant 0 : i32
        %dma_wait3A_156 = tpu.memref_slice %arg3[%dma_wait3A_154, %dma_wait3A_155] : memref<100000x128xf32, #tpu.memory_space<hbm>> -> memref<100000x128xf32, #tpu.memory_space<hbm>>
        tpu.wait_indirect_dma semaphore(%arg16 : memref<!tpu.dma_semaphore, #tpu.memory_space<semaphore_mem>>) src(%dma_wait3A_156 : memref<100000x128xf32, #tpu.memory_space<hbm>>) dst(%dma_wait3A_150 : memref<50x128xf32, #tpu.memory_space<vmem>>)
        %dma_wait3A_157 = arith.constant 3 : i32
        %dma_wait3A_158 = arith.constant 150 : i32
        %dma_wait3A_159 = arith.constant 0 : i32
        %dma_wait3A_160 = tpu.memref_slice %arg9[%dma_wait3A_158, %dma_wait3A_159] : memref<200x128xf32, #tpu.memory_space<vmem>> -> memref<50x128xf32, #tpu.memory_space<vmem>>
        %dma_wait3A_161 = arith.constant 0 : i32
        %dma_wait3A_162 = tpu.memref_slice %arg6[%dma_wait3A_157, %dma_wait3A_161] : memref<4x50xi32, #tpu.memory_space<vmem>> -> memref<1x50xi32, #tpu.memory_space<vmem>>
        %dma_wait3A_163 = tpu.memref_squeeze %dma_wait3A_162 : memref<1x50xi32, #tpu.memory_space<vmem>> -> memref<50xi32, #tpu.memory_space<vmem>>
        %dma_wait3A_164 = arith.constant 0 : i32
        %dma_wait3A_165 = arith.constant 0 : i32
        %dma_wait3A_166 = tpu.memref_slice %arg3[%dma_wait3A_164, %dma_wait3A_165] : memref<100000x128xf32, #tpu.memory_space<hbm>> -> memref<100000x128xf32, #tpu.memory_space<hbm>>
        tpu.wait_indirect_dma semaphore(%arg16 : memref<!tpu.dma_semaphore, #tpu.memory_space<semaphore_mem>>) src(%dma_wait3A_166 : memref<100000x128xf32, #tpu.memory_space<hbm>>) dst(%dma_wait3A_160 : memref<50x128xf32, #tpu.memory_space<vmem>>)
        %parallel_loop3A = arith.constant 0 : i32
        %parallel_loop3A_167 = arith.constant 200 : i32
        %parallel_loop3A_168 = arith.constant 1 : i32
        scf.for %parallel_loop3A_176 = %parallel_loop3A to %parallel_loop3A_167 step %parallel_loop3A_168  : i32 {
          %parallel_loop3A_177 = arith.index_cast %parallel_loop3A_176 : i32 to index
          %parallel_loop3A_178 = arith.constant 0 : index
          %parallel_loop3A_179 = tpu.vector_load %arg9[%parallel_loop3A_177, %parallel_loop3A_178] {strides = array<i32>} : memref<200x128xf32, #tpu.memory_space<vmem>>, vector<1x16xf32>,
          %parallel_loop3A_180 = vector.shape_cast %parallel_loop3A_179 : vector<1x16xf32> to vector<16xf32>
          %parallel_loop3A_181 = arith.constant 11.3137083 : f32
          %parallel_loop3A_182 = vector.broadcast %parallel_loop3A_181 : f32 to vector<16xf32>
          %parallel_loop3A_183 = arith.mulf %parallel_loop3A_180, %parallel_loop3A_182 : vector<16xf32>
          %parallel_loop3A_184 = arith.index_cast %parallel_loop3A_176 : i32 to index
          %parallel_loop3A_185 = arith.constant 0 : index
          %parallel_loop3A_186 = tpu.vector_load %arg12[%parallel_loop3A_184, %parallel_loop3A_185] {strides = array<i32>} : memref<200x128xf32, #tpu.memory_space<vmem>>, vector<1x16xf32>,
          %parallel_loop3A_187 = vector.shape_cast %parallel_loop3A_186 : vector<1x16xf32> to vector<16xf32>
          %parallel_loop3A_188 = arith.addf %parallel_loop3A_183, %parallel_loop3A_187 : vector<16xf32>
          %parallel_loop3A_189 = arith.index_cast %parallel_loop3A_176 : i32 to index
          %parallel_loop3A_190 = arith.constant 0 : index
          %parallel_loop3A_191 = tpu.vector_load %arg9[%parallel_loop3A_189, %parallel_loop3A_190] {strides = array<i32>} : memref<200x128xf32, #tpu.memory_space<vmem>>, vector<1x16xf32>,
          %parallel_loop3A_192 = vector.shape_cast %parallel_loop3A_191 : vector<1x16xf32> to vector<16xf32>
          %parallel_loop3A_193 = vector.shape_cast %parallel_loop3A_188 : vector<16xf32> to vector<1x16xf32>
          tpu.vector_store %arg9[%parallel_loop3A_189, %parallel_loop3A_190], %parallel_loop3A_193 {strides = array<i32>} : memref<200x128xf32, #tpu.memory_space<vmem>>, vector<1x16xf32>,
          %parallel_loop3A_194 = arith.index_cast %parallel_loop3A_176 : i32 to index
          %parallel_loop3A_195 = arith.constant 16 : index
          %parallel_loop3A_196 = tpu.vector_load %arg9[%parallel_loop3A_194, %parallel_loop3A_195] {strides = array<i32>} : memref<200x128xf32, #tpu.memory_space<vmem>>, vector<1x16xf32>,
          %parallel_loop3A_197 = vector.shape_cast %parallel_loop3A_196 : vector<1x16xf32> to vector<16xf32>
          %parallel_loop3A_198 = arith.constant 11.3137083 : f32
          %parallel_loop3A_199 = vector.broadcast %parallel_loop3A_198 : f32 to vector<16xf32>
          %parallel_loop3A_200 = arith.mulf %parallel_loop3A_197, %parallel_loop3A_199 : vector<16xf32>
          %parallel_loop3A_201 = arith.index_cast %parallel_loop3A_176 : i32 to index
          %parallel_loop3A_202 = arith.constant 16 : index
          %parallel_loop3A_203 = tpu.vector_load %arg12[%parallel_loop3A_201, %parallel_loop3A_202] {strides = array<i32>} : memref<200x128xf32, #tpu.memory_space<vmem>>, vector<1x16xf32>,
          %parallel_loop3A_204 = vector.shape_cast %parallel_loop3A_203 : vector<1x16xf32> to vector<16xf32>
          %parallel_loop3A_205 = arith.addf %parallel_loop3A_200, %parallel_loop3A_204 : vector<16xf32>
          %parallel_loop3A_206 = arith.index_cast %parallel_loop3A_176 : i32 to index
          %parallel_loop3A_207 = arith.constant 16 : index
          %parallel_loop3A_208 = tpu.vector_load %arg9[%parallel_loop3A_206, %parallel_loop3A_207] {strides = array<i32>} : memref<200x128xf32, #tpu.memory_space<vmem>>, vector<1x16xf32>,
          %parallel_loop3A_209 = vector.shape_cast %parallel_loop3A_208 : vector<1x16xf32> to vector<16xf32>
          %parallel_loop3A_210 = vector.shape_cast %parallel_loop3A_205 : vector<16xf32> to vector<1x16xf32>
          tpu.vector_store %arg9[%parallel_loop3A_206, %parallel_loop3A_207], %parallel_loop3A_210 {strides = array<i32>} : memref<200x128xf32, #tpu.memory_space<vmem>>, vector<1x16xf32>,
          %parallel_loop3A_211 = arith.index_cast %parallel_loop3A_176 : i32 to index
          %parallel_loop3A_212 = arith.constant 32 : index
          %parallel_loop3A_213 = tpu.vector_load %arg9[%parallel_loop3A_211, %parallel_loop3A_212] {strides = array<i32>} : memref<200x128xf32, #tpu.memory_space<vmem>>, vector<1x16xf32>,
          %parallel_loop3A_214 = vector.shape_cast %parallel_loop3A_213 : vector<1x16xf32> to vector<16xf32>
          %parallel_loop3A_215 = arith.constant 11.3137083 : f32
          %parallel_loop3A_216 = vector.broadcast %parallel_loop3A_215 : f32 to vector<16xf32>
          %parallel_loop3A_217 = arith.mulf %parallel_loop3A_214, %parallel_loop3A_216 : vector<16xf32>
          %parallel_loop3A_218 = arith.index_cast %parallel_loop3A_176 : i32 to index
          %parallel_loop3A_219 = arith.constant 32 : index
          %parallel_loop3A_220 = tpu.vector_load %arg12[%parallel_loop3A_218, %parallel_loop3A_219] {strides = array<i32>} : memref<200x128xf32, #tpu.memory_space<vmem>>, vector<1x16xf32>,
          %parallel_loop3A_221 = vector.shape_cast %parallel_loop3A_220 : vector<1x16xf32> to vector<16xf32>
          %parallel_loop3A_222 = arith.addf %parallel_loop3A_217, %parallel_loop3A_221 : vector<16xf32>
          %parallel_loop3A_223 = arith.index_cast %parallel_loop3A_176 : i32 to index
          %parallel_loop3A_224 = arith.constant 32 : index
          %parallel_loop3A_225 = tpu.vector_load %arg9[%parallel_loop3A_223, %parallel_loop3A_224] {strides = array<i32>} : memref<200x128xf32, #tpu.memory_space<vmem>>, vector<1x16xf32>,
          %parallel_loop3A_226 = vector.shape_cast %parallel_loop3A_225 : vector<1x16xf32> to vector<16xf32>
          %parallel_loop3A_227 = vector.shape_cast %parallel_loop3A_222 : vector<16xf32> to vector<1x16xf32>
          tpu.vector_store %arg9[%parallel_loop3A_223, %parallel_loop3A_224], %parallel_loop3A_227 {strides = array<i32>} : memref<200x128xf32, #tpu.memory_space<vmem>>, vector<1x16xf32>,
          %parallel_loop3A_228 = arith.index_cast %parallel_loop3A_176 : i32 to index
          %parallel_loop3A_229 = arith.constant 48 : index
          %parallel_loop3A_230 = tpu.vector_load %arg9[%parallel_loop3A_228, %parallel_loop3A_229] {strides = array<i32>} : memref<200x128xf32, #tpu.memory_space<vmem>>, vector<1x16xf32>,
          %parallel_loop3A_231 = vector.shape_cast %parallel_loop3A_230 : vector<1x16xf32> to vector<16xf32>
          %parallel_loop3A_232 = arith.constant 11.3137083 : f32
          %parallel_loop3A_233 = vector.broadcast %parallel_loop3A_232 : f32 to vector<16xf32>
          %parallel_loop3A_234 = arith.mulf %parallel_loop3A_231, %parallel_loop3A_233 : vector<16xf32>
          %parallel_loop3A_235 = arith.index_cast %parallel_loop3A_176 : i32 to index
          %parallel_loop3A_236 = arith.constant 48 : index
          %parallel_loop3A_237 = tpu.vector_load %arg12[%parallel_loop3A_235, %parallel_loop3A_236] {strides = array<i32>} : memref<200x128xf32, #tpu.memory_space<vmem>>, vector<1x16xf32>,
          %parallel_loop3A_238 = vector.shape_cast %parallel_loop3A_237 : vector<1x16xf32> to vector<16xf32>
          %parallel_loop3A_239 = arith.addf %parallel_loop3A_234, %parallel_loop3A_238 : vector<16xf32>
          %parallel_loop3A_240 = arith.index_cast %parallel_loop3A_176 : i32 to index
          %parallel_loop3A_241 = arith.constant 48 : index
          %parallel_loop3A_242 = tpu.vector_load %arg9[%parallel_loop3A_240, %parallel_loop3A_241] {strides = array<i32>} : memref<200x128xf32, #tpu.memory_space<vmem>>, vector<1x16xf32>,
          %parallel_loop3A_243 = vector.shape_cast %parallel_loop3A_242 : vector<1x16xf32> to vector<16xf32>
          %parallel_loop3A_244 = vector.shape_cast %parallel_loop3A_239 : vector<16xf32> to vector<1x16xf32>
          tpu.vector_store %arg9[%parallel_loop3A_240, %parallel_loop3A_241], %parallel_loop3A_244 {strides = array<i32>} : memref<200x128xf32, #tpu.memory_space<vmem>>, vector<1x16xf32>,
          %parallel_loop3A_245 = arith.index_cast %parallel_loop3A_176 : i32 to index
          %parallel_loop3A_246 = arith.constant 64 : index
          %parallel_loop3A_247 = tpu.vector_load %arg9[%parallel_loop3A_245, %parallel_loop3A_246] {strides = array<i32>} : memref<200x128xf32, #tpu.memory_space<vmem>>, vector<1x16xf32>,
          %parallel_loop3A_248 = vector.shape_cast %parallel_loop3A_247 : vector<1x16xf32> to vector<16xf32>
          %parallel_loop3A_249 = arith.constant 11.3137083 : f32
          %parallel_loop3A_250 = vector.broadcast %parallel_loop3A_249 : f32 to vector<16xf32>
          %parallel_loop3A_251 = arith.mulf %parallel_loop3A_248, %parallel_loop3A_250 : vector<16xf32>
          %parallel_loop3A_252 = arith.index_cast %parallel_loop3A_176 : i32 to index
          %parallel_loop3A_253 = arith.constant 64 : index
          %parallel_loop3A_254 = tpu.vector_load %arg12[%parallel_loop3A_252, %parallel_loop3A_253] {strides = array<i32>} : memref<200x128xf32, #tpu.memory_space<vmem>>, vector<1x16xf32>,
          %parallel_loop3A_255 = vector.shape_cast %parallel_loop3A_254 : vector<1x16xf32> to vector<16xf32>
          %parallel_loop3A_256 = arith.addf %parallel_loop3A_251, %parallel_loop3A_255 : vector<16xf32>
          %parallel_loop3A_257 = arith.index_cast %parallel_loop3A_176 : i32 to index
          %parallel_loop3A_258 = arith.constant 64 : index
          %parallel_loop3A_259 = tpu.vector_load %arg9[%parallel_loop3A_257, %parallel_loop3A_258] {strides = array<i32>} : memref<200x128xf32, #tpu.memory_space<vmem>>, vector<1x16xf32>,
          %parallel_loop3A_260 = vector.shape_cast %parallel_loop3A_259 : vector<1x16xf32> to vector<16xf32>
          %parallel_loop3A_261 = vector.shape_cast %parallel_loop3A_256 : vector<16xf32> to vector<1x16xf32>
          tpu.vector_store %arg9[%parallel_loop3A_257, %parallel_loop3A_258], %parallel_loop3A_261 {strides = array<i32>} : memref<200x128xf32, #tpu.memory_space<vmem>>, vector<1x16xf32>,
          %parallel_loop3A_262 = arith.index_cast %parallel_loop3A_176 : i32 to index
          %parallel_loop3A_263 = arith.constant 80 : index
          %parallel_loop3A_264 = tpu.vector_load %arg9[%parallel_loop3A_262, %parallel_loop3A_263] {strides = array<i32>} : memref<200x128xf32, #tpu.memory_space<vmem>>, vector<1x16xf32>,
          %parallel_loop3A_265 = vector.shape_cast %parallel_loop3A_264 : vector<1x16xf32> to vector<16xf32>
          %parallel_loop3A_266 = arith.constant 11.3137083 : f32
          %parallel_loop3A_267 = vector.broadcast %parallel_loop3A_266 : f32 to vector<16xf32>
          %parallel_loop3A_268 = arith.mulf %parallel_loop3A_265, %parallel_loop3A_267 : vector<16xf32>
          %parallel_loop3A_269 = arith.index_cast %parallel_loop3A_176 : i32 to index
          %parallel_loop3A_270 = arith.constant 80 : index
          %parallel_loop3A_271 = tpu.vector_load %arg12[%parallel_loop3A_269, %parallel_loop3A_270] {strides = array<i32>} : memref<200x128xf32, #tpu.memory_space<vmem>>, vector<1x16xf32>,
          %parallel_loop3A_272 = vector.shape_cast %parallel_loop3A_271 : vector<1x16xf32> to vector<16xf32>
          %parallel_loop3A_273 = arith.addf %parallel_loop3A_268, %parallel_loop3A_272 : vector<16xf32>
          %parallel_loop3A_274 = arith.index_cast %parallel_loop3A_176 : i32 to index
          %parallel_loop3A_275 = arith.constant 80 : index
          %parallel_loop3A_276 = tpu.vector_load %arg9[%parallel_loop3A_274, %parallel_loop3A_275] {strides = array<i32>} : memref<200x128xf32, #tpu.memory_space<vmem>>, vector<1x16xf32>,
          %parallel_loop3A_277 = vector.shape_cast %parallel_loop3A_276 : vector<1x16xf32> to vector<16xf32>
          %parallel_loop3A_278 = vector.shape_cast %parallel_loop3A_273 : vector<16xf32> to vector<1x16xf32>
          tpu.vector_store %arg9[%parallel_loop3A_274, %parallel_loop3A_275], %parallel_loop3A_278 {strides = array<i32>} : memref<200x128xf32, #tpu.memory_space<vmem>>, vector<1x16xf32>,
          %parallel_loop3A_279 = arith.index_cast %parallel_loop3A_176 : i32 to index
          %parallel_loop3A_280 = arith.constant 96 : index
          %parallel_loop3A_281 = tpu.vector_load %arg9[%parallel_loop3A_279, %parallel_loop3A_280] {strides = array<i32>} : memref<200x128xf32, #tpu.memory_space<vmem>>, vector<1x16xf32>,
          %parallel_loop3A_282 = vector.shape_cast %parallel_loop3A_281 : vector<1x16xf32> to vector<16xf32>
          %parallel_loop3A_283 = arith.constant 11.3137083 : f32
          %parallel_loop3A_284 = vector.broadcast %parallel_loop3A_283 : f32 to vector<16xf32>
          %parallel_loop3A_285 = arith.mulf %parallel_loop3A_282, %parallel_loop3A_284 : vector<16xf32>
          %parallel_loop3A_286 = arith.index_cast %parallel_loop3A_176 : i32 to index
          %parallel_loop3A_287 = arith.constant 96 : index
          %parallel_loop3A_288 = tpu.vector_load %arg12[%parallel_loop3A_286, %parallel_loop3A_287] {strides = array<i32>} : memref<200x128xf32, #tpu.memory_space<vmem>>, vector<1x16xf32>,
          %parallel_loop3A_289 = vector.shape_cast %parallel_loop3A_288 : vector<1x16xf32> to vector<16xf32>
          %parallel_loop3A_290 = arith.addf %parallel_loop3A_285, %parallel_loop3A_289 : vector<16xf32>
          %parallel_loop3A_291 = arith.index_cast %parallel_loop3A_176 : i32 to index
          %parallel_loop3A_292 = arith.constant 96 : index
          %parallel_loop3A_293 = tpu.vector_load %arg9[%parallel_loop3A_291, %parallel_loop3A_292] {strides = array<i32>} : memref<200x128xf32, #tpu.memory_space<vmem>>, vector<1x16xf32>,
          %parallel_loop3A_294 = vector.shape_cast %parallel_loop3A_293 : vector<1x16xf32> to vector<16xf32>
          %parallel_loop3A_295 = vector.shape_cast %parallel_loop3A_290 : vector<16xf32> to vector<1x16xf32>
          tpu.vector_store %arg9[%parallel_loop3A_291, %parallel_loop3A_292], %parallel_loop3A_295 {strides = array<i32>} : memref<200x128xf32, #tpu.memory_space<vmem>>, vector<1x16xf32>,
          %parallel_loop3A_296 = arith.index_cast %parallel_loop3A_176 : i32 to index
          %parallel_loop3A_297 = arith.constant 112 : index
          %parallel_loop3A_298 = tpu.vector_load %arg9[%parallel_loop3A_296, %parallel_loop3A_297] {strides = array<i32>} : memref<200x128xf32, #tpu.memory_space<vmem>>, vector<1x16xf32>,
          %parallel_loop3A_299 = vector.shape_cast %parallel_loop3A_298 : vector<1x16xf32> to vector<16xf32>
          %parallel_loop3A_300 = arith.constant 11.3137083 : f32
          %parallel_loop3A_301 = vector.broadcast %parallel_loop3A_300 : f32 to vector<16xf32>
          %parallel_loop3A_302 = arith.mulf %parallel_loop3A_299, %parallel_loop3A_301 : vector<16xf32>
          %parallel_loop3A_303 = arith.index_cast %parallel_loop3A_176 : i32 to index
          %parallel_loop3A_304 = arith.constant 112 : index
          %parallel_loop3A_305 = tpu.vector_load %arg12[%parallel_loop3A_303, %parallel_loop3A_304] {strides = array<i32>} : memref<200x128xf32, #tpu.memory_space<vmem>>, vector<1x16xf32>,
          %parallel_loop3A_306 = vector.shape_cast %parallel_loop3A_305 : vector<1x16xf32> to vector<16xf32>
          %parallel_loop3A_307 = arith.addf %parallel_loop3A_302, %parallel_loop3A_306 : vector<16xf32>
          %parallel_loop3A_308 = arith.index_cast %parallel_loop3A_176 : i32 to index
          %parallel_loop3A_309 = arith.constant 112 : index
          %parallel_loop3A_310 = tpu.vector_load %arg9[%parallel_loop3A_308, %parallel_loop3A_309] {strides = array<i32>} : memref<200x128xf32, #tpu.memory_space<vmem>>, vector<1x16xf32>,
          %parallel_loop3A_311 = vector.shape_cast %parallel_loop3A_310 : vector<1x16xf32> to vector<16xf32>
          %parallel_loop3A_312 = vector.shape_cast %parallel_loop3A_307 : vector<16xf32> to vector<1x16xf32>
          tpu.vector_store %arg9[%parallel_loop3A_308, %parallel_loop3A_309], %parallel_loop3A_312 {strides = array<i32>} : memref<200x128xf32, #tpu.memory_space<vmem>>, vector<1x16xf32>,
        } {sc.loop_unroll_factor = 4 : i64, sc.parallel_access}
        %add3A_169 = arith.addi %mul3A_2, %add3A_99 : i32
        %mul3A_170 = arith.constant 200 : i32
        %mul3A_171 = arith.muli %add3A_169, %mul3A_170 : i32
        %dma_start3A_172 = arith.constant 0 : i32
        %dma_start3A_173 = tpu.memref_slice %arg5[%mul3A_171, %dma_start3A_172] : memref<204800x128xf32, #tpu.memory_space<hbm>> -> memref<200x128xf32, #tpu.memory_space<hbm>>
        %dma_start3A_174 = arith.constant 0 : i32
        %dma_start3A_175 = tpu.memref_slice %arg5[%mul3A_171, %dma_start3A_174] : memref<204800x128xf32, #tpu.memory_space<hbm>> -> memref<200x128xf32, #tpu.memory_space<hbm>>
        tpu.enqueue_dma source(%arg9 : memref<200x128xf32, #tpu.memory_space<vmem>>) target(%dma_start3A_175 : memref<200x128xf32, #tpu.memory_space<hbm>>) target_semaphore(%arg19 : memref<!tpu.dma_semaphore, #tpu.memory_space<semaphore_mem>>)
      } else {
      }
      %mul3A_102 = arith.constant 3 : i32
      %mul3A_103 = arith.muli %mul3A_102, %scan3A_95 : i32
      %add3A_104 = arith.constant 1 : i32
      %add3A_105 = arith.addi %mul3A_103, %add3A_104 : i32
      %lt3A_106 = arith.constant 32 : i32
      %lt3A_107 = arith.cmpi slt, %add3A_105, %lt3A_106 : i32
      %convert_element_type3A_108 = arith.extui %lt3A_107 : i1 to i32
      %cond3A_109 = arith.constant 0 : i32
      %cond3A_110 = arith.cmpi ne, %convert_element_type3A_108, %cond3A_109 : i32
      scf.if %cond3A_110 {
        %add3A_120 = arith.constant 1 : i32
        %add3A_121 = arith.addi %add3A_105, %add3A_120 : i32
        %lt3A_122 = arith.constant 32 : i32
        %lt3A_123 = arith.cmpi slt, %add3A_121, %lt3A_122 : i32
        %convert_element_type3A_124 = arith.extui %lt3A_123 : i1 to i32
        %cond3A_125 = arith.constant 0 : i32
        %cond3A_126 = arith.cmpi ne, %convert_element_type3A_124, %cond3A_125 : i32
        scf.if %cond3A_126 {
          %dma_wait3A_176 = arith.constant 0 : i32
          %dma_wait3A_177 = arith.constant 0 : i32
          %dma_wait3A_178 = tpu.memref_slice %arg2[%mul3A_2, %dma_wait3A_176, %dma_wait3A_177] : memref<1024x4x50xi32, #tpu.memory_space<hbm>> -> memref<1x4x50xi32, #tpu.memory_space<hbm>>
          %dma_wait3A_179 = tpu.memref_squeeze %dma_wait3A_178 : memref<1x4x50xi32, #tpu.memory_space<hbm>> -> memref<4x50xi32, #tpu.memory_space<hbm>>
          %dma_wait3A_180 = arith.constant 0 : i32
          %dma_wait3A_181 = arith.constant 0 : i32
          %dma_wait3A_182 = tpu.memref_slice %arg2[%mul3A_2, %dma_wait3A_180, %dma_wait3A_181] : memref<1024x4x50xi32, #tpu.memory_space<hbm>> -> memref<1x4x50xi32, #tpu.memory_space<hbm>>
          %dma_wait3A_183 = tpu.memref_squeeze %dma_wait3A_182 : memref<1x4x50xi32, #tpu.memory_space<hbm>> -> memref<4x50xi32, #tpu.memory_space<hbm>>
          tpu.wait_dma2 semaphore(%arg15 : memref<!tpu.dma_semaphore, #tpu.memory_space<semaphore_mem>>) src(%dma_wait3A_183 : memref<4x50xi32, #tpu.memory_space<hbm>>) dst(%arg8 : memref<4x50xi32, #tpu.memory_space<vmem>>)
          %ge3A = arith.constant 2 : i32
          %ge3A_184 = arith.cmpi sge, %add3A_105, %ge3A : i32
          %convert_element_type3A_185 = arith.extui %ge3A_184 : i1 to i32
          %cond3A_186 = arith.constant 0 : i32
          %cond3A_187 = arith.cmpi ne, %convert_element_type3A_185, %cond3A_186 : i32
          scf.if %cond3A_187 {
            %add3A_235 = arith.addi %mul3A_2, %add3A_105 : i32
            %sub3A = arith.constant 2 : i32
            %sub3A_236 = arith.subi %add3A_235, %sub3A : i32
            %mul3A_237 = arith.constant 200 : i32
            %mul3A_238 = arith.muli %sub3A_236, %mul3A_237 : i32
            %dma_wait3A_239 = arith.constant 0 : i32
            %dma_wait3A_240 = tpu.memref_slice %arg5[%mul3A_238, %dma_wait3A_239] : memref<204800x128xf32, #tpu.memory_space<hbm>> -> memref<200x128xf32, #tpu.memory_space<hbm>>
            %dma_wait3A_241 = arith.constant 0 : i32
            %dma_wait3A_242 = tpu.memref_slice %arg5[%mul3A_238, %dma_wait3A_241] : memref<204800x128xf32, #tpu.memory_space<hbm>> -> memref<200x128xf32, #tpu.memory_space<hbm>>
            tpu.wait_dma2 semaphore(%arg21 : memref<!tpu.dma_semaphore, #tpu.memory_space<semaphore_mem>>) src(%arg11 : memref<200x128xf32, #tpu.memory_space<vmem>>) dst(%dma_wait3A_242 : memref<200x128xf32, #tpu.memory_space<hbm>>)
          } else {
          }
          %dma_start3A_188 = arith.constant 0 : i32
          %dma_start3A_189 = arith.constant 0 : i32
          %dma_start3A_190 = arith.constant 0 : i32
          %dma_start3A_191 = tpu.memref_slice %arg11[%dma_start3A_189, %dma_start3A_190] : memref<200x128xf32, #tpu.memory_space<vmem>> -> memref<50x128xf32, #tpu.memory_space<vmem>>
          %dma_start3A_192 = arith.constant 0 : i32
          %dma_start3A_193 = tpu.memref_slice %arg8[%dma_start3A_188, %dma_start3A_192] : memref<4x50xi32, #tpu.memory_space<vmem>> -> memref<1x50xi32, #tpu.memory_space<vmem>>
          %dma_start3A_194 = tpu.memref_squeeze %dma_start3A_193 : memref<1x50xi32, #tpu.memory_space<vmem>> -> memref<50xi32, #tpu.memory_space<vmem>>
          %dma_start3A_195 = arith.constant 0 : i32
          %dma_start3A_196 = arith.constant 0 : i32
          %dma_start3A_197 = tpu.memref_slice %arg3[%dma_start3A_195, %dma_start3A_196] : memref<100000x128xf32, #tpu.memory_space<hbm>> -> memref<100000x128xf32, #tpu.memory_space<hbm>>
          tpu.enqueue_indirect_dma source(%dma_start3A_197 : memref<100000x128xf32, #tpu.memory_space<hbm>>) target(%dma_start3A_191 : memref<50x128xf32, #tpu.memory_space<vmem>>) offsets(%dma_start3A_194 : memref<50xi32, #tpu.memory_space<vmem>>) semaphore(%arg18 : memref<!tpu.dma_semaphore, #tpu.memory_space<semaphore_mem>>)
          %dma_start3A_198 = arith.constant 1 : i32
          %dma_start3A_199 = arith.constant 50 : i32
          %dma_start3A_200 = arith.constant 0 : i32
          %dma_start3A_201 = tpu.memref_slice %arg11[%dma_start3A_199, %dma_start3A_200] : memref<200x128xf32, #tpu.memory_space<vmem>> -> memref<50x128xf32, #tpu.memory_space<vmem>>
          %dma_start3A_202 = arith.constant 0 : i32
          %dma_start3A_203 = tpu.memref_slice %arg8[%dma_start3A_198, %dma_start3A_202] : memref<4x50xi32, #tpu.memory_space<vmem>> -> memref<1x50xi32, #tpu.memory_space<vmem>>
          %dma_start3A_204 = tpu.memref_squeeze %dma_start3A_203 : memref<1x50xi32, #tpu.memory_space<vmem>> -> memref<50xi32, #tpu.memory_space<vmem>>
          %dma_start3A_205 = arith.constant 0 : i32
          %dma_start3A_206 = arith.constant 0 : i32
          %dma_start3A_207 = tpu.memref_slice %arg3[%dma_start3A_205, %dma_start3A_206] : memref<100000x128xf32, #tpu.memory_space<hbm>> -> memref<100000x128xf32, #tpu.memory_space<hbm>>
          tpu.enqueue_indirect_dma source(%dma_start3A_207 : memref<100000x128xf32, #tpu.memory_space<hbm>>) target(%dma_start3A_201 : memref<50x128xf32, #tpu.memory_space<vmem>>) offsets(%dma_start3A_204 : memref<50xi32, #tpu.memory_space<vmem>>) semaphore(%arg18 : memref<!tpu.dma_semaphore, #tpu.memory_space<semaphore_mem>>)
          %dma_start3A_208 = arith.constant 2 : i32
          %dma_start3A_209 = arith.constant 100 : i32
          %dma_start3A_210 = arith.constant 0 : i32
          %dma_start3A_211 = tpu.memref_slice %arg11[%dma_start3A_209, %dma_start3A_210] : memref<200x128xf32, #tpu.memory_space<vmem>> -> memref<50x128xf32, #tpu.memory_space<vmem>>
          %dma_start3A_212 = arith.constant 0 : i32
          %dma_start3A_213 = tpu.memref_slice %arg8[%dma_start3A_208, %dma_start3A_212] : memref<4x50xi32, #tpu.memory_space<vmem>> -> memref<1x50xi32, #tpu.memory_space<vmem>>
          %dma_start3A_214 = tpu.memref_squeeze %dma_start3A_213 : memref<1x50xi32, #tpu.memory_space<vmem>> -> memref<50xi32, #tpu.memory_space<vmem>>
          %dma_start3A_215 = arith.constant 0 : i32
          %dma_start3A_216 = arith.constant 0 : i32
          %dma_start3A_217 = tpu.memref_slice %arg3[%dma_start3A_215, %dma_start3A_216] : memref<100000x128xf32, #tpu.memory_space<hbm>> -> memref<100000x128xf32, #tpu.memory_space<hbm>>
          tpu.enqueue_indirect_dma source(%dma_start3A_217 : memref<100000x128xf32, #tpu.memory_space<hbm>>) target(%dma_start3A_211 : memref<50x128xf32, #tpu.memory_space<vmem>>) offsets(%dma_start3A_214 : memref<50xi32, #tpu.memory_space<vmem>>) semaphore(%arg18 : memref<!tpu.dma_semaphore, #tpu.memory_space<semaphore_mem>>)
          %dma_start3A_218 = arith.constant 3 : i32
          %dma_start3A_219 = arith.constant 150 : i32
          %dma_start3A_220 = arith.constant 0 : i32
          %dma_start3A_221 = tpu.memref_slice %arg11[%dma_start3A_219, %dma_start3A_220] : memref<200x128xf32, #tpu.memory_space<vmem>> -> memref<50x128xf32, #tpu.memory_space<vmem>>
          %dma_start3A_222 = arith.constant 0 : i32
          %dma_start3A_223 = tpu.memref_slice %arg8[%dma_start3A_218, %dma_start3A_222] : memref<4x50xi32, #tpu.memory_space<vmem>> -> memref<1x50xi32, #tpu.memory_space<vmem>>
          %dma_start3A_224 = tpu.memref_squeeze %dma_start3A_223 : memref<1x50xi32, #tpu.memory_space<vmem>> -> memref<50xi32, #tpu.memory_space<vmem>>
          %dma_start3A_225 = arith.constant 0 : i32
          %dma_start3A_226 = arith.constant 0 : i32
          %dma_start3A_227 = tpu.memref_slice %arg3[%dma_start3A_225, %dma_start3A_226] : memref<100000x128xf32, #tpu.memory_space<hbm>> -> memref<100000x128xf32, #tpu.memory_space<hbm>>
          tpu.enqueue_indirect_dma source(%dma_start3A_227 : memref<100000x128xf32, #tpu.memory_space<hbm>>) target(%dma_start3A_221 : memref<50x128xf32, #tpu.memory_space<vmem>>) offsets(%dma_start3A_224 : memref<50xi32, #tpu.memory_space<vmem>>) semaphore(%arg18 : memref<!tpu.dma_semaphore, #tpu.memory_space<semaphore_mem>>)
          %add3A_228 = arith.constant 2 : i32
          %add3A_229 = arith.addi %add3A_105, %add3A_228 : i32
          %lt3A_230 = arith.constant 32 : i32
          %lt3A_231 = arith.cmpi slt, %add3A_229, %lt3A_230 : i32
          %convert_element_type3A_232 = arith.extui %lt3A_231 : i1 to i32
          %cond3A_233 = arith.constant 0 : i32
          %cond3A_234 = arith.cmpi ne, %convert_element_type3A_232, %cond3A_233 : i32
          scf.if %cond3A_234 {
            %add3A_235 = arith.addi %mul3A_2, %add3A_105 : i32
            %add3A_236 = arith.constant 2 : i32
            %add3A_237 = arith.addi %add3A_235, %add3A_236 : i32
            %dma_start3A_238 = arith.constant 0 : i32
            %dma_start3A_239 = arith.constant 0 : i32
            %dma_start3A_240 = tpu.memref_slice %arg2[%add3A_237, %dma_start3A_238, %dma_start3A_239] : memref<1024x4x50xi32, #tpu.memory_space<hbm>> -> memref<1x4x50xi32, #tpu.memory_space<hbm>>
            %dma_start3A_241 = tpu.memref_squeeze %dma_start3A_240 : memref<1x4x50xi32, #tpu.memory_space<hbm>> -> memref<4x50xi32, #tpu.memory_space<hbm>>
            %dma_start3A_242 = arith.constant 0 : i32
            %dma_start3A_243 = arith.constant 0 : i32
            %dma_start3A_244 = tpu.memref_slice %arg2[%add3A_237, %dma_start3A_242, %dma_start3A_243] : memref<1024x4x50xi32, #tpu.memory_space<hbm>> -> memref<1x4x50xi32, #tpu.memory_space<hbm>>
            %dma_start3A_245 = tpu.memref_squeeze %dma_start3A_244 : memref<1x4x50xi32, #tpu.memory_space<hbm>> -> memref<4x50xi32, #tpu.memory_space<hbm>>
            tpu.enqueue_dma source(%dma_start3A_245 : memref<4x50xi32, #tpu.memory_space<hbm>>) target(%arg6 : memref<4x50xi32, #tpu.memory_space<vmem>>) target_semaphore(%arg13 : memref<!tpu.dma_semaphore, #tpu.memory_space<semaphore_mem>>)
          } else {
          }
        } else {
        }
        %dma_wait3A_127 = arith.constant 0 : i32
        %dma_wait3A_128 = arith.constant 0 : i32
        %dma_wait3A_129 = arith.constant 0 : i32
        %dma_wait3A_130 = tpu.memref_slice %arg10[%dma_wait3A_128, %dma_wait3A_129] : memref<200x128xf32, #tpu.memory_space<vmem>> -> memref<50x128xf32, #tpu.memory_space<vmem>>
        %dma_wait3A_131 = arith.constant 0 : i32
        %dma_wait3A_132 = tpu.memref_slice %arg7[%dma_wait3A_127, %dma_wait3A_131] : memref<4x50xi32, #tpu.memory_space<vmem>> -> memref<1x50xi32, #tpu.memory_space<vmem>>
        %dma_wait3A_133 = tpu.memref_squeeze %dma_wait3A_132 : memref<1x50xi32, #tpu.memory_space<vmem>> -> memref<50xi32, #tpu.memory_space<vmem>>
        %dma_wait3A_134 = arith.constant 0 : i32
        %dma_wait3A_135 = arith.constant 0 : i32
        %dma_wait3A_136 = tpu.memref_slice %arg3[%dma_wait3A_134, %dma_wait3A_135] : memref<100000x128xf32, #tpu.memory_space<hbm>> -> memref<100000x128xf32, #tpu.memory_space<hbm>>
        tpu.wait_indirect_dma semaphore(%arg17 : memref<!tpu.dma_semaphore, #tpu.memory_space<semaphore_mem>>) src(%dma_wait3A_136 : memref<100000x128xf32, #tpu.memory_space<hbm>>) dst(%dma_wait3A_130 : memref<50x128xf32, #tpu.memory_space<vmem>>)
        %dma_wait3A_137 = arith.constant 1 : i32
        %dma_wait3A_138 = arith.constant 50 : i32
        %dma_wait3A_139 = arith.constant 0 : i32
        %dma_wait3A_140 = tpu.memref_slice %arg10[%dma_wait3A_138, %dma_wait3A_139] : memref<200x128xf32, #tpu.memory_space<vmem>> -> memref<50x128xf32, #tpu.memory_space<vmem>>
        %dma_wait3A_141 = arith.constant 0 : i32
        %dma_wait3A_142 = tpu.memref_slice %arg7[%dma_wait3A_137, %dma_wait3A_141] : memref<4x50xi32, #tpu.memory_space<vmem>> -> memref<1x50xi32, #tpu.memory_space<vmem>>
        %dma_wait3A_143 = tpu.memref_squeeze %dma_wait3A_142 : memref<1x50xi32, #tpu.memory_space<vmem>> -> memref<50xi32, #tpu.memory_space<vmem>>
        %dma_wait3A_144 = arith.constant 0 : i32
        %dma_wait3A_145 = arith.constant 0 : i32
        %dma_wait3A_146 = tpu.memref_slice %arg3[%dma_wait3A_144, %dma_wait3A_145] : memref<100000x128xf32, #tpu.memory_space<hbm>> -> memref<100000x128xf32, #tpu.memory_space<hbm>>
        tpu.wait_indirect_dma semaphore(%arg17 : memref<!tpu.dma_semaphore, #tpu.memory_space<semaphore_mem>>) src(%dma_wait3A_146 : memref<100000x128xf32, #tpu.memory_space<hbm>>) dst(%dma_wait3A_140 : memref<50x128xf32, #tpu.memory_space<vmem>>)
        %dma_wait3A_147 = arith.constant 2 : i32
        %dma_wait3A_148 = arith.constant 100 : i32
        %dma_wait3A_149 = arith.constant 0 : i32
        %dma_wait3A_150 = tpu.memref_slice %arg10[%dma_wait3A_148, %dma_wait3A_149] : memref<200x128xf32, #tpu.memory_space<vmem>> -> memref<50x128xf32, #tpu.memory_space<vmem>>
        %dma_wait3A_151 = arith.constant 0 : i32
        %dma_wait3A_152 = tpu.memref_slice %arg7[%dma_wait3A_147, %dma_wait3A_151] : memref<4x50xi32, #tpu.memory_space<vmem>> -> memref<1x50xi32, #tpu.memory_space<vmem>>
        %dma_wait3A_153 = tpu.memref_squeeze %dma_wait3A_152 : memref<1x50xi32, #tpu.memory_space<vmem>> -> memref<50xi32, #tpu.memory_space<vmem>>
        %dma_wait3A_154 = arith.constant 0 : i32
        %dma_wait3A_155 = arith.constant 0 : i32
        %dma_wait3A_156 = tpu.memref_slice %arg3[%dma_wait3A_154, %dma_wait3A_155] : memref<100000x128xf32, #tpu.memory_space<hbm>> -> memref<100000x128xf32, #tpu.memory_space<hbm>>
        tpu.wait_indirect_dma semaphore(%arg17 : memref<!tpu.dma_semaphore, #tpu.memory_space<semaphore_mem>>) src(%dma_wait3A_156 : memref<100000x128xf32, #tpu.memory_space<hbm>>) dst(%dma_wait3A_150 : memref<50x128xf32, #tpu.memory_space<vmem>>)
        %dma_wait3A_157 = arith.constant 3 : i32
        %dma_wait3A_158 = arith.constant 150 : i32
        %dma_wait3A_159 = arith.constant 0 : i32
        %dma_wait3A_160 = tpu.memref_slice %arg10[%dma_wait3A_158, %dma_wait3A_159] : memref<200x128xf32, #tpu.memory_space<vmem>> -> memref<50x128xf32, #tpu.memory_space<vmem>>
        %dma_wait3A_161 = arith.constant 0 : i32
        %dma_wait3A_162 = tpu.memref_slice %arg7[%dma_wait3A_157, %dma_wait3A_161] : memref<4x50xi32, #tpu.memory_space<vmem>> -> memref<1x50xi32, #tpu.memory_space<vmem>>
        %dma_wait3A_163 = tpu.memref_squeeze %dma_wait3A_162 : memref<1x50xi32, #tpu.memory_space<vmem>> -> memref<50xi32, #tpu.memory_space<vmem>>
        %dma_wait3A_164 = arith.constant 0 : i32
        %dma_wait3A_165 = arith.constant 0 : i32
        %dma_wait3A_166 = tpu.memref_slice %arg3[%dma_wait3A_164, %dma_wait3A_165] : memref<100000x128xf32, #tpu.memory_space<hbm>> -> memref<100000x128xf32, #tpu.memory_space<hbm>>
        tpu.wait_indirect_dma semaphore(%arg17 : memref<!tpu.dma_semaphore, #tpu.memory_space<semaphore_mem>>) src(%dma_wait3A_166 : memref<100000x128xf32, #tpu.memory_space<hbm>>) dst(%dma_wait3A_160 : memref<50x128xf32, #tpu.memory_space<vmem>>)
        %parallel_loop3A = arith.constant 0 : i32
        %parallel_loop3A_167 = arith.constant 200 : i32
        %parallel_loop3A_168 = arith.constant 1 : i32
        scf.for %parallel_loop3A_176 = %parallel_loop3A to %parallel_loop3A_167 step %parallel_loop3A_168  : i32 {
          %parallel_loop3A_177 = arith.index_cast %parallel_loop3A_176 : i32 to index
          %parallel_loop3A_178 = arith.constant 0 : index
          %parallel_loop3A_179 = tpu.vector_load %arg10[%parallel_loop3A_177, %parallel_loop3A_178] {strides = array<i32>} : memref<200x128xf32, #tpu.memory_space<vmem>>, vector<1x16xf32>,
          %parallel_loop3A_180 = vector.shape_cast %parallel_loop3A_179 : vector<1x16xf32> to vector<16xf32>
          %parallel_loop3A_181 = arith.constant 11.3137083 : f32
          %parallel_loop3A_182 = vector.broadcast %parallel_loop3A_181 : f32 to vector<16xf32>
          %parallel_loop3A_183 = arith.mulf %parallel_loop3A_180, %parallel_loop3A_182 : vector<16xf32>
          %parallel_loop3A_184 = arith.index_cast %parallel_loop3A_176 : i32 to index
          %parallel_loop3A_185 = arith.constant 0 : index
          %parallel_loop3A_186 = tpu.vector_load %arg12[%parallel_loop3A_184, %parallel_loop3A_185] {strides = array<i32>} : memref<200x128xf32, #tpu.memory_space<vmem>>, vector<1x16xf32>,
          %parallel_loop3A_187 = vector.shape_cast %parallel_loop3A_186 : vector<1x16xf32> to vector<16xf32>
          %parallel_loop3A_188 = arith.addf %parallel_loop3A_183, %parallel_loop3A_187 : vector<16xf32>
          %parallel_loop3A_189 = arith.index_cast %parallel_loop3A_176 : i32 to index
          %parallel_loop3A_190 = arith.constant 0 : index
          %parallel_loop3A_191 = tpu.vector_load %arg10[%parallel_loop3A_189, %parallel_loop3A_190] {strides = array<i32>} : memref<200x128xf32, #tpu.memory_space<vmem>>, vector<1x16xf32>,
          %parallel_loop3A_192 = vector.shape_cast %parallel_loop3A_191 : vector<1x16xf32> to vector<16xf32>
          %parallel_loop3A_193 = vector.shape_cast %parallel_loop3A_188 : vector<16xf32> to vector<1x16xf32>
          tpu.vector_store %arg10[%parallel_loop3A_189, %parallel_loop3A_190], %parallel_loop3A_193 {strides = array<i32>} : memref<200x128xf32, #tpu.memory_space<vmem>>, vector<1x16xf32>,
          %parallel_loop3A_194 = arith.index_cast %parallel_loop3A_176 : i32 to index
          %parallel_loop3A_195 = arith.constant 16 : index
          %parallel_loop3A_196 = tpu.vector_load %arg10[%parallel_loop3A_194, %parallel_loop3A_195] {strides = array<i32>} : memref<200x128xf32, #tpu.memory_space<vmem>>, vector<1x16xf32>,
          %parallel_loop3A_197 = vector.shape_cast %parallel_loop3A_196 : vector<1x16xf32> to vector<16xf32>
          %parallel_loop3A_198 = arith.constant 11.3137083 : f32
          %parallel_loop3A_199 = vector.broadcast %parallel_loop3A_198 : f32 to vector<16xf32>
          %parallel_loop3A_200 = arith.mulf %parallel_loop3A_197, %parallel_loop3A_199 : vector<16xf32>
          %parallel_loop3A_201 = arith.index_cast %parallel_loop3A_176 : i32 to index
          %parallel_loop3A_202 = arith.constant 16 : index
          %parallel_loop3A_203 = tpu.vector_load %arg12[%parallel_loop3A_201, %parallel_loop3A_202] {strides = array<i32>} : memref<200x128xf32, #tpu.memory_space<vmem>>, vector<1x16xf32>,
          %parallel_loop3A_204 = vector.shape_cast %parallel_loop3A_203 : vector<1x16xf32> to vector<16xf32>
          %parallel_loop3A_205 = arith.addf %parallel_loop3A_200, %parallel_loop3A_204 : vector<16xf32>
          %parallel_loop3A_206 = arith.index_cast %parallel_loop3A_176 : i32 to index
          %parallel_loop3A_207 = arith.constant 16 : index
          %parallel_loop3A_208 = tpu.vector_load %arg10[%parallel_loop3A_206, %parallel_loop3A_207] {strides = array<i32>} : memref<200x128xf32, #tpu.memory_space<vmem>>, vector<1x16xf32>,
          %parallel_loop3A_209 = vector.shape_cast %parallel_loop3A_208 : vector<1x16xf32> to vector<16xf32>
          %parallel_loop3A_210 = vector.shape_cast %parallel_loop3A_205 : vector<16xf32> to vector<1x16xf32>
          tpu.vector_store %arg10[%parallel_loop3A_206, %parallel_loop3A_207], %parallel_loop3A_210 {strides = array<i32>} : memref<200x128xf32, #tpu.memory_space<vmem>>, vector<1x16xf32>,
          %parallel_loop3A_211 = arith.index_cast %parallel_loop3A_176 : i32 to index
          %parallel_loop3A_212 = arith.constant 32 : index
          %parallel_loop3A_213 = tpu.vector_load %arg10[%parallel_loop3A_211, %parallel_loop3A_212] {strides = array<i32>} : memref<200x128xf32, #tpu.memory_space<vmem>>, vector<1x16xf32>,
          %parallel_loop3A_214 = vector.shape_cast %parallel_loop3A_213 : vector<1x16xf32> to vector<16xf32>
          %parallel_loop3A_215 = arith.constant 11.3137083 : f32
          %parallel_loop3A_216 = vector.broadcast %parallel_loop3A_215 : f32 to vector<16xf32>
          %parallel_loop3A_217 = arith.mulf %parallel_loop3A_214, %parallel_loop3A_216 : vector<16xf32>
          %parallel_loop3A_218 = arith.index_cast %parallel_loop3A_176 : i32 to index
          %parallel_loop3A_219 = arith.constant 32 : index
          %parallel_loop3A_220 = tpu.vector_load %arg12[%parallel_loop3A_218, %parallel_loop3A_219] {strides = array<i32>} : memref<200x128xf32, #tpu.memory_space<vmem>>, vector<1x16xf32>,
          %parallel_loop3A_221 = vector.shape_cast %parallel_loop3A_220 : vector<1x16xf32> to vector<16xf32>
          %parallel_loop3A_222 = arith.addf %parallel_loop3A_217, %parallel_loop3A_221 : vector<16xf32>
          %parallel_loop3A_223 = arith.index_cast %parallel_loop3A_176 : i32 to index
          %parallel_loop3A_224 = arith.constant 32 : index
          %parallel_loop3A_225 = tpu.vector_load %arg10[%parallel_loop3A_223, %parallel_loop3A_224] {strides = array<i32>} : memref<200x128xf32, #tpu.memory_space<vmem>>, vector<1x16xf32>,
          %parallel_loop3A_226 = vector.shape_cast %parallel_loop3A_225 : vector<1x16xf32> to vector<16xf32>
          %parallel_loop3A_227 = vector.shape_cast %parallel_loop3A_222 : vector<16xf32> to vector<1x16xf32>
          tpu.vector_store %arg10[%parallel_loop3A_223, %parallel_loop3A_224], %parallel_loop3A_227 {strides = array<i32>} : memref<200x128xf32, #tpu.memory_space<vmem>>, vector<1x16xf32>,
          %parallel_loop3A_228 = arith.index_cast %parallel_loop3A_176 : i32 to index
          %parallel_loop3A_229 = arith.constant 48 : index
          %parallel_loop3A_230 = tpu.vector_load %arg10[%parallel_loop3A_228, %parallel_loop3A_229] {strides = array<i32>} : memref<200x128xf32, #tpu.memory_space<vmem>>, vector<1x16xf32>,
          %parallel_loop3A_231 = vector.shape_cast %parallel_loop3A_230 : vector<1x16xf32> to vector<16xf32>
          %parallel_loop3A_232 = arith.constant 11.3137083 : f32
          %parallel_loop3A_233 = vector.broadcast %parallel_loop3A_232 : f32 to vector<16xf32>
          %parallel_loop3A_234 = arith.mulf %parallel_loop3A_231, %parallel_loop3A_233 : vector<16xf32>
          %parallel_loop3A_235 = arith.index_cast %parallel_loop3A_176 : i32 to index
          %parallel_loop3A_236 = arith.constant 48 : index
          %parallel_loop3A_237 = tpu.vector_load %arg12[%parallel_loop3A_235, %parallel_loop3A_236] {strides = array<i32>} : memref<200x128xf32, #tpu.memory_space<vmem>>, vector<1x16xf32>,
          %parallel_loop3A_238 = vector.shape_cast %parallel_loop3A_237 : vector<1x16xf32> to vector<16xf32>
          %parallel_loop3A_239 = arith.addf %parallel_loop3A_234, %parallel_loop3A_238 : vector<16xf32>
          %parallel_loop3A_240 = arith.index_cast %parallel_loop3A_176 : i32 to index
          %parallel_loop3A_241 = arith.constant 48 : index
          %parallel_loop3A_242 = tpu.vector_load %arg10[%parallel_loop3A_240, %parallel_loop3A_241] {strides = array<i32>} : memref<200x128xf32, #tpu.memory_space<vmem>>, vector<1x16xf32>,
          %parallel_loop3A_243 = vector.shape_cast %parallel_loop3A_242 : vector<1x16xf32> to vector<16xf32>
          %parallel_loop3A_244 = vector.shape_cast %parallel_loop3A_239 : vector<16xf32> to vector<1x16xf32>
          tpu.vector_store %arg10[%parallel_loop3A_240, %parallel_loop3A_241], %parallel_loop3A_244 {strides = array<i32>} : memref<200x128xf32, #tpu.memory_space<vmem>>, vector<1x16xf32>,
          %parallel_loop3A_245 = arith.index_cast %parallel_loop3A_176 : i32 to index
          %parallel_loop3A_246 = arith.constant 64 : index
          %parallel_loop3A_247 = tpu.vector_load %arg10[%parallel_loop3A_245, %parallel_loop3A_246] {strides = array<i32>} : memref<200x128xf32, #tpu.memory_space<vmem>>, vector<1x16xf32>,
          %parallel_loop3A_248 = vector.shape_cast %parallel_loop3A_247 : vector<1x16xf32> to vector<16xf32>
          %parallel_loop3A_249 = arith.constant 11.3137083 : f32
          %parallel_loop3A_250 = vector.broadcast %parallel_loop3A_249 : f32 to vector<16xf32>
          %parallel_loop3A_251 = arith.mulf %parallel_loop3A_248, %parallel_loop3A_250 : vector<16xf32>
          %parallel_loop3A_252 = arith.index_cast %parallel_loop3A_176 : i32 to index
          %parallel_loop3A_253 = arith.constant 64 : index
          %parallel_loop3A_254 = tpu.vector_load %arg12[%parallel_loop3A_252, %parallel_loop3A_253] {strides = array<i32>} : memref<200x128xf32, #tpu.memory_space<vmem>>, vector<1x16xf32>,
          %parallel_loop3A_255 = vector.shape_cast %parallel_loop3A_254 : vector<1x16xf32> to vector<16xf32>
          %parallel_loop3A_256 = arith.addf %parallel_loop3A_251, %parallel_loop3A_255 : vector<16xf32>
          %parallel_loop3A_257 = arith.index_cast %parallel_loop3A_176 : i32 to index
          %parallel_loop3A_258 = arith.constant 64 : index
          %parallel_loop3A_259 = tpu.vector_load %arg10[%parallel_loop3A_257, %parallel_loop3A_258] {strides = array<i32>} : memref<200x128xf32, #tpu.memory_space<vmem>>, vector<1x16xf32>,
          %parallel_loop3A_260 = vector.shape_cast %parallel_loop3A_259 : vector<1x16xf32> to vector<16xf32>
          %parallel_loop3A_261 = vector.shape_cast %parallel_loop3A_256 : vector<16xf32> to vector<1x16xf32>
          tpu.vector_store %arg10[%parallel_loop3A_257, %parallel_loop3A_258], %parallel_loop3A_261 {strides = array<i32>} : memref<200x128xf32, #tpu.memory_space<vmem>>, vector<1x16xf32>,
          %parallel_loop3A_262 = arith.index_cast %parallel_loop3A_176 : i32 to index
          %parallel_loop3A_263 = arith.constant 80 : index
          %parallel_loop3A_264 = tpu.vector_load %arg10[%parallel_loop3A_262, %parallel_loop3A_263] {strides = array<i32>} : memref<200x128xf32, #tpu.memory_space<vmem>>, vector<1x16xf32>,
          %parallel_loop3A_265 = vector.shape_cast %parallel_loop3A_264 : vector<1x16xf32> to vector<16xf32>
          %parallel_loop3A_266 = arith.constant 11.3137083 : f32
          %parallel_loop3A_267 = vector.broadcast %parallel_loop3A_266 : f32 to vector<16xf32>
          %parallel_loop3A_268 = arith.mulf %parallel_loop3A_265, %parallel_loop3A_267 : vector<16xf32>
          %parallel_loop3A_269 = arith.index_cast %parallel_loop3A_176 : i32 to index
          %parallel_loop3A_270 = arith.constant 80 : index
          %parallel_loop3A_271 = tpu.vector_load %arg12[%parallel_loop3A_269, %parallel_loop3A_270] {strides = array<i32>} : memref<200x128xf32, #tpu.memory_space<vmem>>, vector<1x16xf32>,
          %parallel_loop3A_272 = vector.shape_cast %parallel_loop3A_271 : vector<1x16xf32> to vector<16xf32>
          %parallel_loop3A_273 = arith.addf %parallel_loop3A_268, %parallel_loop3A_272 : vector<16xf32>
          %parallel_loop3A_274 = arith.index_cast %parallel_loop3A_176 : i32 to index
          %parallel_loop3A_275 = arith.constant 80 : index
          %parallel_loop3A_276 = tpu.vector_load %arg10[%parallel_loop3A_274, %parallel_loop3A_275] {strides = array<i32>} : memref<200x128xf32, #tpu.memory_space<vmem>>, vector<1x16xf32>,
          %parallel_loop3A_277 = vector.shape_cast %parallel_loop3A_276 : vector<1x16xf32> to vector<16xf32>
          %parallel_loop3A_278 = vector.shape_cast %parallel_loop3A_273 : vector<16xf32> to vector<1x16xf32>
          tpu.vector_store %arg10[%parallel_loop3A_274, %parallel_loop3A_275], %parallel_loop3A_278 {strides = array<i32>} : memref<200x128xf32, #tpu.memory_space<vmem>>, vector<1x16xf32>,
          %parallel_loop3A_279 = arith.index_cast %parallel_loop3A_176 : i32 to index
          %parallel_loop3A_280 = arith.constant 96 : index
          %parallel_loop3A_281 = tpu.vector_load %arg10[%parallel_loop3A_279, %parallel_loop3A_280] {strides = array<i32>} : memref<200x128xf32, #tpu.memory_space<vmem>>, vector<1x16xf32>,
          %parallel_loop3A_282 = vector.shape_cast %parallel_loop3A_281 : vector<1x16xf32> to vector<16xf32>
          %parallel_loop3A_283 = arith.constant 11.3137083 : f32
          %parallel_loop3A_284 = vector.broadcast %parallel_loop3A_283 : f32 to vector<16xf32>
          %parallel_loop3A_285 = arith.mulf %parallel_loop3A_282, %parallel_loop3A_284 : vector<16xf32>
          %parallel_loop3A_286 = arith.index_cast %parallel_loop3A_176 : i32 to index
          %parallel_loop3A_287 = arith.constant 96 : index
          %parallel_loop3A_288 = tpu.vector_load %arg12[%parallel_loop3A_286, %parallel_loop3A_287] {strides = array<i32>} : memref<200x128xf32, #tpu.memory_space<vmem>>, vector<1x16xf32>,
          %parallel_loop3A_289 = vector.shape_cast %parallel_loop3A_288 : vector<1x16xf32> to vector<16xf32>
          %parallel_loop3A_290 = arith.addf %parallel_loop3A_285, %parallel_loop3A_289 : vector<16xf32>
          %parallel_loop3A_291 = arith.index_cast %parallel_loop3A_176 : i32 to index
          %parallel_loop3A_292 = arith.constant 96 : index
          %parallel_loop3A_293 = tpu.vector_load %arg10[%parallel_loop3A_291, %parallel_loop3A_292] {strides = array<i32>} : memref<200x128xf32, #tpu.memory_space<vmem>>, vector<1x16xf32>,
          %parallel_loop3A_294 = vector.shape_cast %parallel_loop3A_293 : vector<1x16xf32> to vector<16xf32>
          %parallel_loop3A_295 = vector.shape_cast %parallel_loop3A_290 : vector<16xf32> to vector<1x16xf32>
          tpu.vector_store %arg10[%parallel_loop3A_291, %parallel_loop3A_292], %parallel_loop3A_295 {strides = array<i32>} : memref<200x128xf32, #tpu.memory_space<vmem>>, vector<1x16xf32>,
          %parallel_loop3A_296 = arith.index_cast %parallel_loop3A_176 : i32 to index
          %parallel_loop3A_297 = arith.constant 112 : index
          %parallel_loop3A_298 = tpu.vector_load %arg10[%parallel_loop3A_296, %parallel_loop3A_297] {strides = array<i32>} : memref<200x128xf32, #tpu.memory_space<vmem>>, vector<1x16xf32>,
          %parallel_loop3A_299 = vector.shape_cast %parallel_loop3A_298 : vector<1x16xf32> to vector<16xf32>
          %parallel_loop3A_300 = arith.constant 11.3137083 : f32
          %parallel_loop3A_301 = vector.broadcast %parallel_loop3A_300 : f32 to vector<16xf32>
          %parallel_loop3A_302 = arith.mulf %parallel_loop3A_299, %parallel_loop3A_301 : vector<16xf32>
          %parallel_loop3A_303 = arith.index_cast %parallel_loop3A_176 : i32 to index
          %parallel_loop3A_304 = arith.constant 112 : index
          %parallel_loop3A_305 = tpu.vector_load %arg12[%parallel_loop3A_303, %parallel_loop3A_304] {strides = array<i32>} : memref<200x128xf32, #tpu.memory_space<vmem>>, vector<1x16xf32>,
          %parallel_loop3A_306 = vector.shape_cast %parallel_loop3A_305 : vector<1x16xf32> to vector<16xf32>
          %parallel_loop3A_307 = arith.addf %parallel_loop3A_302, %parallel_loop3A_306 : vector<16xf32>
          %parallel_loop3A_308 = arith.index_cast %parallel_loop3A_176 : i32 to index
          %parallel_loop3A_309 = arith.constant 112 : index
          %parallel_loop3A_310 = tpu.vector_load %arg10[%parallel_loop3A_308, %parallel_loop3A_309] {strides = array<i32>} : memref<200x128xf32, #tpu.memory_space<vmem>>, vector<1x16xf32>,
          %parallel_loop3A_311 = vector.shape_cast %parallel_loop3A_310 : vector<1x16xf32> to vector<16xf32>
          %parallel_loop3A_312 = vector.shape_cast %parallel_loop3A_307 : vector<16xf32> to vector<1x16xf32>
          tpu.vector_store %arg10[%parallel_loop3A_308, %parallel_loop3A_309], %parallel_loop3A_312 {strides = array<i32>} : memref<200x128xf32, #tpu.memory_space<vmem>>, vector<1x16xf32>,
        } {sc.loop_unroll_factor = 4 : i64, sc.parallel_access}
        %add3A_169 = arith.addi %mul3A_2, %add3A_105 : i32
        %mul3A_170 = arith.constant 200 : i32
        %mul3A_171 = arith.muli %add3A_169, %mul3A_170 : i32
        %dma_start3A_172 = arith.constant 0 : i32
        %dma_start3A_173 = tpu.memref_slice %arg5[%mul3A_171, %dma_start3A_172] : memref<204800x128xf32, #tpu.memory_space<hbm>> -> memref<200x128xf32, #tpu.memory_space<hbm>>
        %dma_start3A_174 = arith.constant 0 : i32
        %dma_start3A_175 = tpu.memref_slice %arg5[%mul3A_171, %dma_start3A_174] : memref<204800x128xf32, #tpu.memory_space<hbm>> -> memref<200x128xf32, #tpu.memory_space<hbm>>
        tpu.enqueue_dma source(%arg10 : memref<200x128xf32, #tpu.memory_space<vmem>>) target(%dma_start3A_175 : memref<200x128xf32, #tpu.memory_space<hbm>>) target_semaphore(%arg20 : memref<!tpu.dma_semaphore, #tpu.memory_space<semaphore_mem>>)
      } else {
      }
      %mul3A_111 = arith.constant 3 : i32
      %mul3A_112 = arith.muli %mul3A_111, %scan3A_95 : i32
      %add3A_113 = arith.constant 2 : i32
      %add3A_114 = arith.addi %mul3A_112, %add3A_113 : i32
      %lt3A_115 = arith.constant 32 : i32
      %lt3A_116 = arith.cmpi slt, %add3A_114, %lt3A_115 : i32
      %convert_element_type3A_117 = arith.extui %lt3A_116 : i1 to i32
      %cond3A_118 = arith.constant 0 : i32
      %cond3A_119 = arith.cmpi ne, %convert_element_type3A_117, %cond3A_118 : i32
      scf.if %cond3A_119 {
        %add3A_120 = arith.constant 1 : i32
        %add3A_121 = arith.addi %add3A_114, %add3A_120 : i32
        %lt3A_122 = arith.constant 32 : i32
        %lt3A_123 = arith.cmpi slt, %add3A_121, %lt3A_122 : i32
        %convert_element_type3A_124 = arith.extui %lt3A_123 : i1 to i32
        %cond3A_125 = arith.constant 0 : i32
        %cond3A_126 = arith.cmpi ne, %convert_element_type3A_124, %cond3A_125 : i32
        scf.if %cond3A_126 {
          %dma_wait3A_176 = arith.constant 0 : i32
          %dma_wait3A_177 = arith.constant 0 : i32
          %dma_wait3A_178 = tpu.memref_slice %arg2[%mul3A_2, %dma_wait3A_176, %dma_wait3A_177] : memref<1024x4x50xi32, #tpu.memory_space<hbm>> -> memref<1x4x50xi32, #tpu.memory_space<hbm>>
          %dma_wait3A_179 = tpu.memref_squeeze %dma_wait3A_178 : memref<1x4x50xi32, #tpu.memory_space<hbm>> -> memref<4x50xi32, #tpu.memory_space<hbm>>
          %dma_wait3A_180 = arith.constant 0 : i32
          %dma_wait3A_181 = arith.constant 0 : i32
          %dma_wait3A_182 = tpu.memref_slice %arg2[%mul3A_2, %dma_wait3A_180, %dma_wait3A_181] : memref<1024x4x50xi32, #tpu.memory_space<hbm>> -> memref<1x4x50xi32, #tpu.memory_space<hbm>>
          %dma_wait3A_183 = tpu.memref_squeeze %dma_wait3A_182 : memref<1x4x50xi32, #tpu.memory_space<hbm>> -> memref<4x50xi32, #tpu.memory_space<hbm>>
          tpu.wait_dma2 semaphore(%arg13 : memref<!tpu.dma_semaphore, #tpu.memory_space<semaphore_mem>>) src(%dma_wait3A_183 : memref<4x50xi32, #tpu.memory_space<hbm>>) dst(%arg6 : memref<4x50xi32, #tpu.memory_space<vmem>>)
          %ge3A = arith.constant 2 : i32
          %ge3A_184 = arith.cmpi sge, %add3A_114, %ge3A : i32
          %convert_element_type3A_185 = arith.extui %ge3A_184 : i1 to i32
          %cond3A_186 = arith.constant 0 : i32
          %cond3A_187 = arith.cmpi ne, %convert_element_type3A_185, %cond3A_186 : i32
          scf.if %cond3A_187 {
            %add3A_235 = arith.addi %mul3A_2, %add3A_114 : i32
            %sub3A = arith.constant 2 : i32
            %sub3A_236 = arith.subi %add3A_235, %sub3A : i32
            %mul3A_237 = arith.constant 200 : i32
            %mul3A_238 = arith.muli %sub3A_236, %mul3A_237 : i32
            %dma_wait3A_239 = arith.constant 0 : i32
            %dma_wait3A_240 = tpu.memref_slice %arg5[%mul3A_238, %dma_wait3A_239] : memref<204800x128xf32, #tpu.memory_space<hbm>> -> memref<200x128xf32, #tpu.memory_space<hbm>>
            %dma_wait3A_241 = arith.constant 0 : i32
            %dma_wait3A_242 = tpu.memref_slice %arg5[%mul3A_238, %dma_wait3A_241] : memref<204800x128xf32, #tpu.memory_space<hbm>> -> memref<200x128xf32, #tpu.memory_space<hbm>>
            tpu.wait_dma2 semaphore(%arg19 : memref<!tpu.dma_semaphore, #tpu.memory_space<semaphore_mem>>) src(%arg9 : memref<200x128xf32, #tpu.memory_space<vmem>>) dst(%dma_wait3A_242 : memref<200x128xf32, #tpu.memory_space<hbm>>)
          } else {
          }
          %dma_start3A_188 = arith.constant 0 : i32
          %dma_start3A_189 = arith.constant 0 : i32
          %dma_start3A_190 = arith.constant 0 : i32
          %dma_start3A_191 = tpu.memref_slice %arg9[%dma_start3A_189, %dma_start3A_190] : memref<200x128xf32, #tpu.memory_space<vmem>> -> memref<50x128xf32, #tpu.memory_space<vmem>>
          %dma_start3A_192 = arith.constant 0 : i32
          %dma_start3A_193 = tpu.memref_slice %arg6[%dma_start3A_188, %dma_start3A_192] : memref<4x50xi32, #tpu.memory_space<vmem>> -> memref<1x50xi32, #tpu.memory_space<vmem>>
          %dma_start3A_194 = tpu.memref_squeeze %dma_start3A_193 : memref<1x50xi32, #tpu.memory_space<vmem>> -> memref<50xi32, #tpu.memory_space<vmem>>
          %dma_start3A_195 = arith.constant 0 : i32
          %dma_start3A_196 = arith.constant 0 : i32
          %dma_start3A_197 = tpu.memref_slice %arg3[%dma_start3A_195, %dma_start3A_196] : memref<100000x128xf32, #tpu.memory_space<hbm>> -> memref<100000x128xf32, #tpu.memory_space<hbm>>
          tpu.enqueue_indirect_dma source(%dma_start3A_197 : memref<100000x128xf32, #tpu.memory_space<hbm>>) target(%dma_start3A_191 : memref<50x128xf32, #tpu.memory_space<vmem>>) offsets(%dma_start3A_194 : memref<50xi32, #tpu.memory_space<vmem>>) semaphore(%arg16 : memref<!tpu.dma_semaphore, #tpu.memory_space<semaphore_mem>>)
          %dma_start3A_198 = arith.constant 1 : i32
          %dma_start3A_199 = arith.constant 50 : i32
          %dma_start3A_200 = arith.constant 0 : i32
          %dma_start3A_201 = tpu.memref_slice %arg9[%dma_start3A_199, %dma_start3A_200] : memref<200x128xf32, #tpu.memory_space<vmem>> -> memref<50x128xf32, #tpu.memory_space<vmem>>
          %dma_start3A_202 = arith.constant 0 : i32
          %dma_start3A_203 = tpu.memref_slice %arg6[%dma_start3A_198, %dma_start3A_202] : memref<4x50xi32, #tpu.memory_space<vmem>> -> memref<1x50xi32, #tpu.memory_space<vmem>>
          %dma_start3A_204 = tpu.memref_squeeze %dma_start3A_203 : memref<1x50xi32, #tpu.memory_space<vmem>> -> memref<50xi32, #tpu.memory_space<vmem>>
          %dma_start3A_205 = arith.constant 0 : i32
          %dma_start3A_206 = arith.constant 0 : i32
          %dma_start3A_207 = tpu.memref_slice %arg3[%dma_start3A_205, %dma_start3A_206] : memref<100000x128xf32, #tpu.memory_space<hbm>> -> memref<100000x128xf32, #tpu.memory_space<hbm>>
          tpu.enqueue_indirect_dma source(%dma_start3A_207 : memref<100000x128xf32, #tpu.memory_space<hbm>>) target(%dma_start3A_201 : memref<50x128xf32, #tpu.memory_space<vmem>>) offsets(%dma_start3A_204 : memref<50xi32, #tpu.memory_space<vmem>>) semaphore(%arg16 : memref<!tpu.dma_semaphore, #tpu.memory_space<semaphore_mem>>)
          %dma_start3A_208 = arith.constant 2 : i32
          %dma_start3A_209 = arith.constant 100 : i32
          %dma_start3A_210 = arith.constant 0 : i32
          %dma_start3A_211 = tpu.memref_slice %arg9[%dma_start3A_209, %dma_start3A_210] : memref<200x128xf32, #tpu.memory_space<vmem>> -> memref<50x128xf32, #tpu.memory_space<vmem>>
          %dma_start3A_212 = arith.constant 0 : i32
          %dma_start3A_213 = tpu.memref_slice %arg6[%dma_start3A_208, %dma_start3A_212] : memref<4x50xi32, #tpu.memory_space<vmem>> -> memref<1x50xi32, #tpu.memory_space<vmem>>
          %dma_start3A_214 = tpu.memref_squeeze %dma_start3A_213 : memref<1x50xi32, #tpu.memory_space<vmem>> -> memref<50xi32, #tpu.memory_space<vmem>>
          %dma_start3A_215 = arith.constant 0 : i32
          %dma_start3A_216 = arith.constant 0 : i32
          %dma_start3A_217 = tpu.memref_slice %arg3[%dma_start3A_215, %dma_start3A_216] : memref<100000x128xf32, #tpu.memory_space<hbm>> -> memref<100000x128xf32, #tpu.memory_space<hbm>>
          tpu.enqueue_indirect_dma source(%dma_start3A_217 : memref<100000x128xf32, #tpu.memory_space<hbm>>) target(%dma_start3A_211 : memref<50x128xf32, #tpu.memory_space<vmem>>) offsets(%dma_start3A_214 : memref<50xi32, #tpu.memory_space<vmem>>) semaphore(%arg16 : memref<!tpu.dma_semaphore, #tpu.memory_space<semaphore_mem>>)
          %dma_start3A_218 = arith.constant 3 : i32
          %dma_start3A_219 = arith.constant 150 : i32
          %dma_start3A_220 = arith.constant 0 : i32
          %dma_start3A_221 = tpu.memref_slice %arg9[%dma_start3A_219, %dma_start3A_220] : memref<200x128xf32, #tpu.memory_space<vmem>> -> memref<50x128xf32, #tpu.memory_space<vmem>>
          %dma_start3A_222 = arith.constant 0 : i32
          %dma_start3A_223 = tpu.memref_slice %arg6[%dma_start3A_218, %dma_start3A_222] : memref<4x50xi32, #tpu.memory_space<vmem>> -> memref<1x50xi32, #tpu.memory_space<vmem>>
          %dma_start3A_224 = tpu.memref_squeeze %dma_start3A_223 : memref<1x50xi32, #tpu.memory_space<vmem>> -> memref<50xi32, #tpu.memory_space<vmem>>
          %dma_start3A_225 = arith.constant 0 : i32
          %dma_start3A_226 = arith.constant 0 : i32
          %dma_start3A_227 = tpu.memref_slice %arg3[%dma_start3A_225, %dma_start3A_226] : memref<100000x128xf32, #tpu.memory_space<hbm>> -> memref<100000x128xf32, #tpu.memory_space<hbm>>
          tpu.enqueue_indirect_dma source(%dma_start3A_227 : memref<100000x128xf32, #tpu.memory_space<hbm>>) target(%dma_start3A_221 : memref<50x128xf32, #tpu.memory_space<vmem>>) offsets(%dma_start3A_224 : memref<50xi32, #tpu.memory_space<vmem>>) semaphore(%arg16 : memref<!tpu.dma_semaphore, #tpu.memory_space<semaphore_mem>>)
          %add3A_228 = arith.constant 2 : i32
          %add3A_229 = arith.addi %add3A_114, %add3A_228 : i32
          %lt3A_230 = arith.constant 32 : i32
          %lt3A_231 = arith.cmpi slt, %add3A_229, %lt3A_230 : i32
          %convert_element_type3A_232 = arith.extui %lt3A_231 : i1 to i32
          %cond3A_233 = arith.constant 0 : i32
          %cond3A_234 = arith.cmpi ne, %convert_element_type3A_232, %cond3A_233 : i32
          scf.if %cond3A_234 {
            %add3A_235 = arith.addi %mul3A_2, %add3A_114 : i32
            %add3A_236 = arith.constant 2 : i32
            %add3A_237 = arith.addi %add3A_235, %add3A_236 : i32
            %dma_start3A_238 = arith.constant 0 : i32
            %dma_start3A_239 = arith.constant 0 : i32
            %dma_start3A_240 = tpu.memref_slice %arg2[%add3A_237, %dma_start3A_238, %dma_start3A_239] : memref<1024x4x50xi32, #tpu.memory_space<hbm>> -> memref<1x4x50xi32, #tpu.memory_space<hbm>>
            %dma_start3A_241 = tpu.memref_squeeze %dma_start3A_240 : memref<1x4x50xi32, #tpu.memory_space<hbm>> -> memref<4x50xi32, #tpu.memory_space<hbm>>
            %dma_start3A_242 = arith.constant 0 : i32
            %dma_start3A_243 = arith.constant 0 : i32
            %dma_start3A_244 = tpu.memref_slice %arg2[%add3A_237, %dma_start3A_242, %dma_start3A_243] : memref<1024x4x50xi32, #tpu.memory_space<hbm>> -> memref<1x4x50xi32, #tpu.memory_space<hbm>>
            %dma_start3A_245 = tpu.memref_squeeze %dma_start3A_244 : memref<1x4x50xi32, #tpu.memory_space<hbm>> -> memref<4x50xi32, #tpu.memory_space<hbm>>
            tpu.enqueue_dma source(%dma_start3A_245 : memref<4x50xi32, #tpu.memory_space<hbm>>) target(%arg7 : memref<4x50xi32, #tpu.memory_space<vmem>>) target_semaphore(%arg14 : memref<!tpu.dma_semaphore, #tpu.memory_space<semaphore_mem>>)
          } else {
          }
        } else {
        }
        %dma_wait3A_127 = arith.constant 0 : i32
        %dma_wait3A_128 = arith.constant 0 : i32
        %dma_wait3A_129 = arith.constant 0 : i32
        %dma_wait3A_130 = tpu.memref_slice %arg11[%dma_wait3A_128, %dma_wait3A_129] : memref<200x128xf32, #tpu.memory_space<vmem>> -> memref<50x128xf32, #tpu.memory_space<vmem>>
        %dma_wait3A_131 = arith.constant 0 : i32
        %dma_wait3A_132 = tpu.memref_slice %arg8[%dma_wait3A_127, %dma_wait3A_131] : memref<4x50xi32, #tpu.memory_space<vmem>> -> memref<1x50xi32, #tpu.memory_space<vmem>>
        %dma_wait3A_133 = tpu.memref_squeeze %dma_wait3A_132 : memref<1x50xi32, #tpu.memory_space<vmem>> -> memref<50xi32, #tpu.memory_space<vmem>>
        %dma_wait3A_134 = arith.constant 0 : i32
        %dma_wait3A_135 = arith.constant 0 : i32
        %dma_wait3A_136 = tpu.memref_slice %arg3[%dma_wait3A_134, %dma_wait3A_135] : memref<100000x128xf32, #tpu.memory_space<hbm>> -> memref<100000x128xf32, #tpu.memory_space<hbm>>
        tpu.wait_indirect_dma semaphore(%arg18 : memref<!tpu.dma_semaphore, #tpu.memory_space<semaphore_mem>>) src(%dma_wait3A_136 : memref<100000x128xf32, #tpu.memory_space<hbm>>) dst(%dma_wait3A_130 : memref<50x128xf32, #tpu.memory_space<vmem>>)
        %dma_wait3A_137 = arith.constant 1 : i32
        %dma_wait3A_138 = arith.constant 50 : i32
        %dma_wait3A_139 = arith.constant 0 : i32
        %dma_wait3A_140 = tpu.memref_slice %arg11[%dma_wait3A_138, %dma_wait3A_139] : memref<200x128xf32, #tpu.memory_space<vmem>> -> memref<50x128xf32, #tpu.memory_space<vmem>>
        %dma_wait3A_141 = arith.constant 0 : i32
        %dma_wait3A_142 = tpu.memref_slice %arg8[%dma_wait3A_137, %dma_wait3A_141] : memref<4x50xi32, #tpu.memory_space<vmem>> -> memref<1x50xi32, #tpu.memory_space<vmem>>
        %dma_wait3A_143 = tpu.memref_squeeze %dma_wait3A_142 : memref<1x50xi32, #tpu.memory_space<vmem>> -> memref<50xi32, #tpu.memory_space<vmem>>
        %dma_wait3A_144 = arith.constant 0 : i32
        %dma_wait3A_145 = arith.constant 0 : i32
        %dma_wait3A_146 = tpu.memref_slice %arg3[%dma_wait3A_144, %dma_wait3A_145] : memref<100000x128xf32, #tpu.memory_space<hbm>> -> memref<100000x128xf32, #tpu.memory_space<hbm>>
        tpu.wait_indirect_dma semaphore(%arg18 : memref<!tpu.dma_semaphore, #tpu.memory_space<semaphore_mem>>) src(%dma_wait3A_146 : memref<100000x128xf32, #tpu.memory_space<hbm>>) dst(%dma_wait3A_140 : memref<50x128xf32, #tpu.memory_space<vmem>>)
        %dma_wait3A_147 = arith.constant 2 : i32
        %dma_wait3A_148 = arith.constant 100 : i32
        %dma_wait3A_149 = arith.constant 0 : i32
        %dma_wait3A_150 = tpu.memref_slice %arg11[%dma_wait3A_148, %dma_wait3A_149] : memref<200x128xf32, #tpu.memory_space<vmem>> -> memref<50x128xf32, #tpu.memory_space<vmem>>
        %dma_wait3A_151 = arith.constant 0 : i32
        %dma_wait3A_152 = tpu.memref_slice %arg8[%dma_wait3A_147, %dma_wait3A_151] : memref<4x50xi32, #tpu.memory_space<vmem>> -> memref<1x50xi32, #tpu.memory_space<vmem>>
        %dma_wait3A_153 = tpu.memref_squeeze %dma_wait3A_152 : memref<1x50xi32, #tpu.memory_space<vmem>> -> memref<50xi32, #tpu.memory_space<vmem>>
        %dma_wait3A_154 = arith.constant 0 : i32
        %dma_wait3A_155 = arith.constant 0 : i32
        %dma_wait3A_156 = tpu.memref_slice %arg3[%dma_wait3A_154, %dma_wait3A_155] : memref<100000x128xf32, #tpu.memory_space<hbm>> -> memref<100000x128xf32, #tpu.memory_space<hbm>>
        tpu.wait_indirect_dma semaphore(%arg18 : memref<!tpu.dma_semaphore, #tpu.memory_space<semaphore_mem>>) src(%dma_wait3A_156 : memref<100000x128xf32, #tpu.memory_space<hbm>>) dst(%dma_wait3A_150 : memref<50x128xf32, #tpu.memory_space<vmem>>)
        %dma_wait3A_157 = arith.constant 3 : i32
        %dma_wait3A_158 = arith.constant 150 : i32
        %dma_wait3A_159 = arith.constant 0 : i32
        %dma_wait3A_160 = tpu.memref_slice %arg11[%dma_wait3A_158, %dma_wait3A_159] : memref<200x128xf32, #tpu.memory_space<vmem>> -> memref<50x128xf32, #tpu.memory_space<vmem>>
        %dma_wait3A_161 = arith.constant 0 : i32
        %dma_wait3A_162 = tpu.memref_slice %arg8[%dma_wait3A_157, %dma_wait3A_161] : memref<4x50xi32, #tpu.memory_space<vmem>> -> memref<1x50xi32, #tpu.memory_space<vmem>>
        %dma_wait3A_163 = tpu.memref_squeeze %dma_wait3A_162 : memref<1x50xi32, #tpu.memory_space<vmem>> -> memref<50xi32, #tpu.memory_space<vmem>>
        %dma_wait3A_164 = arith.constant 0 : i32
        %dma_wait3A_165 = arith.constant 0 : i32
        %dma_wait3A_166 = tpu.memref_slice %arg3[%dma_wait3A_164, %dma_wait3A_165] : memref<100000x128xf32, #tpu.memory_space<hbm>> -> memref<100000x128xf32, #tpu.memory_space<hbm>>
        tpu.wait_indirect_dma semaphore(%arg18 : memref<!tpu.dma_semaphore, #tpu.memory_space<semaphore_mem>>) src(%dma_wait3A_166 : memref<100000x128xf32, #tpu.memory_space<hbm>>) dst(%dma_wait3A_160 : memref<50x128xf32, #tpu.memory_space<vmem>>)
        %parallel_loop3A = arith.constant 0 : i32
        %parallel_loop3A_167 = arith.constant 200 : i32
        %parallel_loop3A_168 = arith.constant 1 : i32
        scf.for %parallel_loop3A_176 = %parallel_loop3A to %parallel_loop3A_167 step %parallel_loop3A_168  : i32 {
          %parallel_loop3A_177 = arith.index_cast %parallel_loop3A_176 : i32 to index
          %parallel_loop3A_178 = arith.constant 0 : index
          %parallel_loop3A_179 = tpu.vector_load %arg11[%parallel_loop3A_177, %parallel_loop3A_178] {strides = array<i32>} : memref<200x128xf32, #tpu.memory_space<vmem>>, vector<1x16xf32>,
          %parallel_loop3A_180 = vector.shape_cast %parallel_loop3A_179 : vector<1x16xf32> to vector<16xf32>
          %parallel_loop3A_181 = arith.constant 11.3137083 : f32
          %parallel_loop3A_182 = vector.broadcast %parallel_loop3A_181 : f32 to vector<16xf32>
          %parallel_loop3A_183 = arith.mulf %parallel_loop3A_180, %parallel_loop3A_182 : vector<16xf32>
          %parallel_loop3A_184 = arith.index_cast %parallel_loop3A_176 : i32 to index
          %parallel_loop3A_185 = arith.constant 0 : index
          %parallel_loop3A_186 = tpu.vector_load %arg12[%parallel_loop3A_184, %parallel_loop3A_185] {strides = array<i32>} : memref<200x128xf32, #tpu.memory_space<vmem>>, vector<1x16xf32>,
          %parallel_loop3A_187 = vector.shape_cast %parallel_loop3A_186 : vector<1x16xf32> to vector<16xf32>
          %parallel_loop3A_188 = arith.addf %parallel_loop3A_183, %parallel_loop3A_187 : vector<16xf32>
          %parallel_loop3A_189 = arith.index_cast %parallel_loop3A_176 : i32 to index
          %parallel_loop3A_190 = arith.constant 0 : index
          %parallel_loop3A_191 = tpu.vector_load %arg11[%parallel_loop3A_189, %parallel_loop3A_190] {strides = array<i32>} : memref<200x128xf32, #tpu.memory_space<vmem>>, vector<1x16xf32>,
          %parallel_loop3A_192 = vector.shape_cast %parallel_loop3A_191 : vector<1x16xf32> to vector<16xf32>
          %parallel_loop3A_193 = vector.shape_cast %parallel_loop3A_188 : vector<16xf32> to vector<1x16xf32>
          tpu.vector_store %arg11[%parallel_loop3A_189, %parallel_loop3A_190], %parallel_loop3A_193 {strides = array<i32>} : memref<200x128xf32, #tpu.memory_space<vmem>>, vector<1x16xf32>,
          %parallel_loop3A_194 = arith.index_cast %parallel_loop3A_176 : i32 to index
          %parallel_loop3A_195 = arith.constant 16 : index
          %parallel_loop3A_196 = tpu.vector_load %arg11[%parallel_loop3A_194, %parallel_loop3A_195] {strides = array<i32>} : memref<200x128xf32, #tpu.memory_space<vmem>>, vector<1x16xf32>,
          %parallel_loop3A_197 = vector.shape_cast %parallel_loop3A_196 : vector<1x16xf32> to vector<16xf32>
          %parallel_loop3A_198 = arith.constant 11.3137083 : f32
          %parallel_loop3A_199 = vector.broadcast %parallel_loop3A_198 : f32 to vector<16xf32>
          %parallel_loop3A_200 = arith.mulf %parallel_loop3A_197, %parallel_loop3A_199 : vector<16xf32>
          %parallel_loop3A_201 = arith.index_cast %parallel_loop3A_176 : i32 to index
          %parallel_loop3A_202 = arith.constant 16 : index
          %parallel_loop3A_203 = tpu.vector_load %arg12[%parallel_loop3A_201, %parallel_loop3A_202] {strides = array<i32>} : memref<200x128xf32, #tpu.memory_space<vmem>>, vector<1x16xf32>,
          %parallel_loop3A_204 = vector.shape_cast %parallel_loop3A_203 : vector<1x16xf32> to vector<16xf32>
          %parallel_loop3A_205 = arith.addf %parallel_loop3A_200, %parallel_loop3A_204 : vector<16xf32>
          %parallel_loop3A_206 = arith.index_cast %parallel_loop3A_176 : i32 to index
          %parallel_loop3A_207 = arith.constant 16 : index
          %parallel_loop3A_208 = tpu.vector_load %arg11[%parallel_loop3A_206, %parallel_loop3A_207] {strides = array<i32>} : memref<200x128xf32, #tpu.memory_space<vmem>>, vector<1x16xf32>,
          %parallel_loop3A_209 = vector.shape_cast %parallel_loop3A_208 : vector<1x16xf32> to vector<16xf32>
          %parallel_loop3A_210 = vector.shape_cast %parallel_loop3A_205 : vector<16xf32> to vector<1x16xf32>
          tpu.vector_store %arg11[%parallel_loop3A_206, %parallel_loop3A_207], %parallel_loop3A_210 {strides = array<i32>} : memref<200x128xf32, #tpu.memory_space<vmem>>, vector<1x16xf32>,
          %parallel_loop3A_211 = arith.index_cast %parallel_loop3A_176 : i32 to index
          %parallel_loop3A_212 = arith.constant 32 : index
          %parallel_loop3A_213 = tpu.vector_load %arg11[%parallel_loop3A_211, %parallel_loop3A_212] {strides = array<i32>} : memref<200x128xf32, #tpu.memory_space<vmem>>, vector<1x16xf32>,
          %parallel_loop3A_214 = vector.shape_cast %parallel_loop3A_213 : vector<1x16xf32> to vector<16xf32>
          %parallel_loop3A_215 = arith.constant 11.3137083 : f32
          %parallel_loop3A_216 = vector.broadcast %parallel_loop3A_215 : f32 to vector<16xf32>
          %parallel_loop3A_217 = arith.mulf %parallel_loop3A_214, %parallel_loop3A_216 : vector<16xf32>
          %parallel_loop3A_218 = arith.index_cast %parallel_loop3A_176 : i32 to index
          %parallel_loop3A_219 = arith.constant 32 : index
          %parallel_loop3A_220 = tpu.vector_load %arg12[%parallel_loop3A_218, %parallel_loop3A_219] {strides = array<i32>} : memref<200x128xf32, #tpu.memory_space<vmem>>, vector<1x16xf32>,
          %parallel_loop3A_221 = vector.shape_cast %parallel_loop3A_220 : vector<1x16xf32> to vector<16xf32>
          %parallel_loop3A_222 = arith.addf %parallel_loop3A_217, %parallel_loop3A_221 : vector<16xf32>
          %parallel_loop3A_223 = arith.index_cast %parallel_loop3A_176 : i32 to index
          %parallel_loop3A_224 = arith.constant 32 : index
          %parallel_loop3A_225 = tpu.vector_load %arg11[%parallel_loop3A_223, %parallel_loop3A_224] {strides = array<i32>} : memref<200x128xf32, #tpu.memory_space<vmem>>, vector<1x16xf32>,
          %parallel_loop3A_226 = vector.shape_cast %parallel_loop3A_225 : vector<1x16xf32> to vector<16xf32>
          %parallel_loop3A_227 = vector.shape_cast %parallel_loop3A_222 : vector<16xf32> to vector<1x16xf32>
          tpu.vector_store %arg11[%parallel_loop3A_223, %parallel_loop3A_224], %parallel_loop3A_227 {strides = array<i32>} : memref<200x128xf32, #tpu.memory_space<vmem>>, vector<1x16xf32>,
          %parallel_loop3A_228 = arith.index_cast %parallel_loop3A_176 : i32 to index
          %parallel_loop3A_229 = arith.constant 48 : index
          %parallel_loop3A_230 = tpu.vector_load %arg11[%parallel_loop3A_228, %parallel_loop3A_229] {strides = array<i32>} : memref<200x128xf32, #tpu.memory_space<vmem>>, vector<1x16xf32>,
          %parallel_loop3A_231 = vector.shape_cast %parallel_loop3A_230 : vector<1x16xf32> to vector<16xf32>
          %parallel_loop3A_232 = arith.constant 11.3137083 : f32
          %parallel_loop3A_233 = vector.broadcast %parallel_loop3A_232 : f32 to vector<16xf32>
          %parallel_loop3A_234 = arith.mulf %parallel_loop3A_231, %parallel_loop3A_233 : vector<16xf32>
          %parallel_loop3A_235 = arith.index_cast %parallel_loop3A_176 : i32 to index
          %parallel_loop3A_236 = arith.constant 48 : index
          %parallel_loop3A_237 = tpu.vector_load %arg12[%parallel_loop3A_235, %parallel_loop3A_236] {strides = array<i32>} : memref<200x128xf32, #tpu.memory_space<vmem>>, vector<1x16xf32>,
          %parallel_loop3A_238 = vector.shape_cast %parallel_loop3A_237 : vector<1x16xf32> to vector<16xf32>
          %parallel_loop3A_239 = arith.addf %parallel_loop3A_234, %parallel_loop3A_238 : vector<16xf32>
          %parallel_loop3A_240 = arith.index_cast %parallel_loop3A_176 : i32 to index
          %parallel_loop3A_241 = arith.constant 48 : index
          %parallel_loop3A_242 = tpu.vector_load %arg11[%parallel_loop3A_240, %parallel_loop3A_241] {strides = array<i32>} : memref<200x128xf32, #tpu.memory_space<vmem>>, vector<1x16xf32>,
          %parallel_loop3A_243 = vector.shape_cast %parallel_loop3A_242 : vector<1x16xf32> to vector<16xf32>
          %parallel_loop3A_244 = vector.shape_cast %parallel_loop3A_239 : vector<16xf32> to vector<1x16xf32>
          tpu.vector_store %arg11[%parallel_loop3A_240, %parallel_loop3A_241], %parallel_loop3A_244 {strides = array<i32>} : memref<200x128xf32, #tpu.memory_space<vmem>>, vector<1x16xf32>,
          %parallel_loop3A_245 = arith.index_cast %parallel_loop3A_176 : i32 to index
          %parallel_loop3A_246 = arith.constant 64 : index
          %parallel_loop3A_247 = tpu.vector_load %arg11[%parallel_loop3A_245, %parallel_loop3A_246] {strides = array<i32>} : memref<200x128xf32, #tpu.memory_space<vmem>>, vector<1x16xf32>,
          %parallel_loop3A_248 = vector.shape_cast %parallel_loop3A_247 : vector<1x16xf32> to vector<16xf32>
          %parallel_loop3A_249 = arith.constant 11.3137083 : f32
          %parallel_loop3A_250 = vector.broadcast %parallel_loop3A_249 : f32 to vector<16xf32>
          %parallel_loop3A_251 = arith.mulf %parallel_loop3A_248, %parallel_loop3A_250 : vector<16xf32>
          %parallel_loop3A_252 = arith.index_cast %parallel_loop3A_176 : i32 to index
          %parallel_loop3A_253 = arith.constant 64 : index
          %parallel_loop3A_254 = tpu.vector_load %arg12[%parallel_loop3A_252, %parallel_loop3A_253] {strides = array<i32>} : memref<200x128xf32, #tpu.memory_space<vmem>>, vector<1x16xf32>,
          %parallel_loop3A_255 = vector.shape_cast %parallel_loop3A_254 : vector<1x16xf32> to vector<16xf32>
          %parallel_loop3A_256 = arith.addf %parallel_loop3A_251, %parallel_loop3A_255 : vector<16xf32>
          %parallel_loop3A_257 = arith.index_cast %parallel_loop3A_176 : i32 to index
          %parallel_loop3A_258 = arith.constant 64 : index
          %parallel_loop3A_259 = tpu.vector_load %arg11[%parallel_loop3A_257, %parallel_loop3A_258] {strides = array<i32>} : memref<200x128xf32, #tpu.memory_space<vmem>>, vector<1x16xf32>,
          %parallel_loop3A_260 = vector.shape_cast %parallel_loop3A_259 : vector<1x16xf32> to vector<16xf32>
          %parallel_loop3A_261 = vector.shape_cast %parallel_loop3A_256 : vector<16xf32> to vector<1x16xf32>
          tpu.vector_store %arg11[%parallel_loop3A_257, %parallel_loop3A_258], %parallel_loop3A_261 {strides = array<i32>} : memref<200x128xf32, #tpu.memory_space<vmem>>, vector<1x16xf32>,
          %parallel_loop3A_262 = arith.index_cast %parallel_loop3A_176 : i32 to index
          %parallel_loop3A_263 = arith.constant 80 : index
          %parallel_loop3A_264 = tpu.vector_load %arg11[%parallel_loop3A_262, %parallel_loop3A_263] {strides = array<i32>} : memref<200x128xf32, #tpu.memory_space<vmem>>, vector<1x16xf32>,
          %parallel_loop3A_265 = vector.shape_cast %parallel_loop3A_264 : vector<1x16xf32> to vector<16xf32>
          %parallel_loop3A_266 = arith.constant 11.3137083 : f32
          %parallel_loop3A_267 = vector.broadcast %parallel_loop3A_266 : f32 to vector<16xf32>
          %parallel_loop3A_268 = arith.mulf %parallel_loop3A_265, %parallel_loop3A_267 : vector<16xf32>
          %parallel_loop3A_269 = arith.index_cast %parallel_loop3A_176 : i32 to index
          %parallel_loop3A_270 = arith.constant 80 : index
          %parallel_loop3A_271 = tpu.vector_load %arg12[%parallel_loop3A_269, %parallel_loop3A_270] {strides = array<i32>} : memref<200x128xf32, #tpu.memory_space<vmem>>, vector<1x16xf32>,
          %parallel_loop3A_272 = vector.shape_cast %parallel_loop3A_271 : vector<1x16xf32> to vector<16xf32>
          %parallel_loop3A_273 = arith.addf %parallel_loop3A_268, %parallel_loop3A_272 : vector<16xf32>
          %parallel_loop3A_274 = arith.index_cast %parallel_loop3A_176 : i32 to index
          %parallel_loop3A_275 = arith.constant 80 : index
          %parallel_loop3A_276 = tpu.vector_load %arg11[%parallel_loop3A_274, %parallel_loop3A_275] {strides = array<i32>} : memref<200x128xf32, #tpu.memory_space<vmem>>, vector<1x16xf32>,
          %parallel_loop3A_277 = vector.shape_cast %parallel_loop3A_276 : vector<1x16xf32> to vector<16xf32>
          %parallel_loop3A_278 = vector.shape_cast %parallel_loop3A_273 : vector<16xf32> to vector<1x16xf32>
          tpu.vector_store %arg11[%parallel_loop3A_274, %parallel_loop3A_275], %parallel_loop3A_278 {strides = array<i32>} : memref<200x128xf32, #tpu.memory_space<vmem>>, vector<1x16xf32>,
          %parallel_loop3A_279 = arith.index_cast %parallel_loop3A_176 : i32 to index
          %parallel_loop3A_280 = arith.constant 96 : index
          %parallel_loop3A_281 = tpu.vector_load %arg11[%parallel_loop3A_279, %parallel_loop3A_280] {strides = array<i32>} : memref<200x128xf32, #tpu.memory_space<vmem>>, vector<1x16xf32>,
          %parallel_loop3A_282 = vector.shape_cast %parallel_loop3A_281 : vector<1x16xf32> to vector<16xf32>
          %parallel_loop3A_283 = arith.constant 11.3137083 : f32
          %parallel_loop3A_284 = vector.broadcast %parallel_loop3A_283 : f32 to vector<16xf32>
          %parallel_loop3A_285 = arith.mulf %parallel_loop3A_282, %parallel_loop3A_284 : vector<16xf32>
          %parallel_loop3A_286 = arith.index_cast %parallel_loop3A_176 : i32 to index
          %parallel_loop3A_287 = arith.constant 96 : index
          %parallel_loop3A_288 = tpu.vector_load %arg12[%parallel_loop3A_286, %parallel_loop3A_287] {strides = array<i32>} : memref<200x128xf32, #tpu.memory_space<vmem>>, vector<1x16xf32>,
          %parallel_loop3A_289 = vector.shape_cast %parallel_loop3A_288 : vector<1x16xf32> to vector<16xf32>
          %parallel_loop3A_290 = arith.addf %parallel_loop3A_285, %parallel_loop3A_289 : vector<16xf32>
          %parallel_loop3A_291 = arith.index_cast %parallel_loop3A_176 : i32 to index
          %parallel_loop3A_292 = arith.constant 96 : index
          %parallel_loop3A_293 = tpu.vector_load %arg11[%parallel_loop3A_291, %parallel_loop3A_292] {strides = array<i32>} : memref<200x128xf32, #tpu.memory_space<vmem>>, vector<1x16xf32>,
          %parallel_loop3A_294 = vector.shape_cast %parallel_loop3A_293 : vector<1x16xf32> to vector<16xf32>
          %parallel_loop3A_295 = vector.shape_cast %parallel_loop3A_290 : vector<16xf32> to vector<1x16xf32>
          tpu.vector_store %arg11[%parallel_loop3A_291, %parallel_loop3A_292], %parallel_loop3A_295 {strides = array<i32>} : memref<200x128xf32, #tpu.memory_space<vmem>>, vector<1x16xf32>,
          %parallel_loop3A_296 = arith.index_cast %parallel_loop3A_176 : i32 to index
          %parallel_loop3A_297 = arith.constant 112 : index
          %parallel_loop3A_298 = tpu.vector_load %arg11[%parallel_loop3A_296, %parallel_loop3A_297] {strides = array<i32>} : memref<200x128xf32, #tpu.memory_space<vmem>>, vector<1x16xf32>,
          %parallel_loop3A_299 = vector.shape_cast %parallel_loop3A_298 : vector<1x16xf32> to vector<16xf32>
          %parallel_loop3A_300 = arith.constant 11.3137083 : f32
          %parallel_loop3A_301 = vector.broadcast %parallel_loop3A_300 : f32 to vector<16xf32>
          %parallel_loop3A_302 = arith.mulf %parallel_loop3A_299, %parallel_loop3A_301 : vector<16xf32>
          %parallel_loop3A_303 = arith.index_cast %parallel_loop3A_176 : i32 to index
          %parallel_loop3A_304 = arith.constant 112 : index
          %parallel_loop3A_305 = tpu.vector_load %arg12[%parallel_loop3A_303, %parallel_loop3A_304] {strides = array<i32>} : memref<200x128xf32, #tpu.memory_space<vmem>>, vector<1x16xf32>,
          %parallel_loop3A_306 = vector.shape_cast %parallel_loop3A_305 : vector<1x16xf32> to vector<16xf32>
          %parallel_loop3A_307 = arith.addf %parallel_loop3A_302, %parallel_loop3A_306 : vector<16xf32>
          %parallel_loop3A_308 = arith.index_cast %parallel_loop3A_176 : i32 to index
          %parallel_loop3A_309 = arith.constant 112 : index
          %parallel_loop3A_310 = tpu.vector_load %arg11[%parallel_loop3A_308, %parallel_loop3A_309] {strides = array<i32>} : memref<200x128xf32, #tpu.memory_space<vmem>>, vector<1x16xf32>,
          %parallel_loop3A_311 = vector.shape_cast %parallel_loop3A_310 : vector<1x16xf32> to vector<16xf32>
          %parallel_loop3A_312 = vector.shape_cast %parallel_loop3A_307 : vector<16xf32> to vector<1x16xf32>
          tpu.vector_store %arg11[%parallel_loop3A_308, %parallel_loop3A_309], %parallel_loop3A_312 {strides = array<i32>} : memref<200x128xf32, #tpu.memory_space<vmem>>, vector<1x16xf32>,
        } {sc.loop_unroll_factor = 4 : i64, sc.parallel_access}
        %add3A_169 = arith.addi %mul3A_2, %add3A_114 : i32
        %mul3A_170 = arith.constant 200 : i32
        %mul3A_171 = arith.muli %add3A_169, %mul3A_170 : i32
        %dma_start3A_172 = arith.constant 0 : i32
        %dma_start3A_173 = tpu.memref_slice %arg5[%mul3A_171, %dma_start3A_172] : memref<204800x128xf32, #tpu.memory_space<hbm>> -> memref<200x128xf32, #tpu.memory_space<hbm>>
        %dma_start3A_174 = arith.constant 0 : i32
        %dma_start3A_175 = tpu.memref_slice %arg5[%mul3A_171, %dma_start3A_174] : memref<204800x128xf32, #tpu.memory_space<hbm>> -> memref<200x128xf32, #tpu.memory_space<hbm>>
        tpu.enqueue_dma source(%arg11 : memref<200x128xf32, #tpu.memory_space<vmem>>) target(%dma_start3A_175 : memref<200x128xf32, #tpu.memory_space<hbm>>) target_semaphore(%arg21 : memref<!tpu.dma_semaphore, #tpu.memory_space<semaphore_mem>>)
      } else {
      }
    }
    %scan3A_70 = arith.constant 11 : i32
    %add3A_71 = arith.constant 29 : i32
    %add3A_72 = arith.addi %mul3A_2, %add3A_71 : i32
    %mul3A_73 = arith.constant 200 : i32
    %mul3A_74 = arith.muli %add3A_72, %mul3A_73 : i32
    %dma_wait3A_75 = arith.constant 0 : i32
    %dma_wait3A_76 = tpu.memref_slice %arg5[%mul3A_74, %dma_wait3A_75] : memref<204800x128xf32, #tpu.memory_space<hbm>> -> memref<200x128xf32, #tpu.memory_space<hbm>>
    %dma_wait3A_77 = arith.constant 0 : i32
    %dma_wait3A_78 = tpu.memref_slice %arg5[%mul3A_74, %dma_wait3A_77] : memref<204800x128xf32, #tpu.memory_space<hbm>> -> memref<200x128xf32, #tpu.memory_space<hbm>>
    tpu.wait_dma2 semaphore(%arg21 : memref<!tpu.dma_semaphore, #tpu.memory_space<semaphore_mem>>) src(%arg11 : memref<200x128xf32, #tpu.memory_space<vmem>>) dst(%dma_wait3A_78 : memref<200x128xf32, #tpu.memory_space<hbm>>)
    %add3A_79 = arith.constant 30 : i32
    %add3A_80 = arith.addi %mul3A_2, %add3A_79 : i32
    %mul3A_81 = arith.constant 200 : i32
    %mul3A_82 = arith.muli %add3A_80, %mul3A_81 : i32
    %dma_wait3A_83 = arith.constant 0 : i32
    %dma_wait3A_84 = tpu.memref_slice %arg5[%mul3A_82, %dma_wait3A_83] : memref<204800x128xf32, #tpu.memory_space<hbm>> -> memref<200x128xf32, #tpu.memory_space<hbm>>
    %dma_wait3A_85 = arith.constant 0 : i32
    %dma_wait3A_86 = tpu.memref_slice %arg5[%mul3A_82, %dma_wait3A_85] : memref<204800x128xf32, #tpu.memory_space<hbm>> -> memref<200x128xf32, #tpu.memory_space<hbm>>
    tpu.wait_dma2 semaphore(%arg19 : memref<!tpu.dma_semaphore, #tpu.memory_space<semaphore_mem>>) src(%arg9 : memref<200x128xf32, #tpu.memory_space<vmem>>) dst(%dma_wait3A_86 : memref<200x128xf32, #tpu.memory_space<hbm>>)
    %add3A_87 = arith.constant 31 : i32
    %add3A_88 = arith.addi %mul3A_2, %add3A_87 : i32
    %mul3A_89 = arith.constant 200 : i32
    %mul3A_90 = arith.muli %add3A_88, %mul3A_89 : i32
    %dma_wait3A_91 = arith.constant 0 : i32
    %dma_wait3A_92 = tpu.memref_slice %arg5[%mul3A_90, %dma_wait3A_91] : memref<204800x128xf32, #tpu.memory_space<hbm>> -> memref<200x128xf32, #tpu.memory_space<hbm>>
    %dma_wait3A_93 = arith.constant 0 : i32
    %dma_wait3A_94 = tpu.memref_slice %arg5[%mul3A_90, %dma_wait3A_93] : memref<204800x128xf32, #tpu.memory_space<hbm>> -> memref<200x128xf32, #tpu.memory_space<hbm>>
    tpu.wait_dma2 semaphore(%arg20 : memref<!tpu.dma_semaphore, #tpu.memory_space<semaphore_mem>>) src(%arg10 : memref<200x128xf32, #tpu.memory_space<vmem>>) dst(%dma_wait3A_94 : memref<200x128xf32, #tpu.memory_space<hbm>>)
    return
  }
}

</mosaic_0001>

<sc_bundles>
// kernel: kernel.3.cloned.1.call-start
scs
__scs_entry_jumppad:
0x0: {  	(pc) =	sbr.rel $0x88, $3  }
0x1: {  	(tag) =	ssettag $0x0;
	lr =	simm.s32 $0x1  }
0x2: {  	[smem:$0x3F9E] =	sst lr;
	_ =	strace $0xD0000000  }
0x3: {  	_ = 	snop  }
0x4: {  	_ = 	snop  }
0x5: {  	_ = 	snop  }
0x6: {  	_ = 	snop  }
0x7: {  	_ = 	snop  }
__scs_overlays_trampoline_lowered:
0x8: {  	[smem:$0x3FAD] =	sst s0  }
0x9: {  	[smem:$0x3FAE] =	sst s1  }
0xa: {  	[smem:$0x3FAF] =	sst s2  }
0xb: {  	[smem:$0x3FB0] =	sst s3  }
0xc: {  	[smem:$0x3FB1] =	sst s4  }
0xd: {  	[smem:$0x3FB2] =	sst s5  }
0xe: {  	[smem:$0x3FB3] =	sst s6  }
0xf: {  	[smem:$0x3FB4] =	sst s7  }
0x10: {  	[smem:$0x3FB5] =	sst s8  }
0x11: {  	[smem:$0x3FB6] =	sst s9;
	s0 =	simm.s32 @!p0 $0x0  }
0x12: {  	s1 =	sld [smem:$0x3F9C];
	s0 =	simm.s32 @p0 $0x1  }
0x13: {  	[smem:$0x3FB7] =	sst s0;
	s0 =	simm.s32 @!p1 $0x0  }
0x14: {  	s2 =	sld [smem:$0x3F9B];
	s0 =	simm.s32 @p1 $0x1  }
0x15: {  	[smem:$0x3FB8] =	sst s0;
	s0 =	simm.s32 @!p2 $0x0  }
0x16: {  	s3 =	sld [smem:$0x3FDB];
	s0 =	simm.s32 @p2 $0x1  }
0x17: {  	s4 =	simm.s32 $0x1BF5;
	[smem:$0x3FBA] =	sst s0  }
0x18: {  	s0 =	sld [smem:$0x3F9D];
	_ =	swait.ge [sflag:s4], $0x0  }
0x19: {  	s7 =	sld [smem:$0x3F9E]  }
0x1a: {  	s8 =	sadd.s32 $0xFFFFE003, lr  }
0x1b: {  	s9 =	sadd.s32 $0xFFFFFEF7, lr;
	s5 =	simm.s32 $0xFFFFFFFF;
	p2 =	slt.u32 s8, $0xFFFFF086  }
0x1c: {  	p1 =	slt.u32 s9, $0xF7A;
	s5 =	simm.s32 @!p2 $0x0  }
0x1d: {  	s5 =	simm.s32 @p1 $0x1;
	p0 =	seq.s32 s7, s2  }
0x1e: {  	s7 =	smul.u32 @!p0 $0xF7A, s2;
	p2 =	seq.s32 @!p0 s5, $0x0  }
0x1f: {  	s9 =	smul.u32 $0xF7A, s1;
	s8 =	simm.s32 @!p0 $0x1BF5;
	p2 =	por !p2, p0  }
0x20: {  	[sflag:s8] =	ssyncset.s32 @!p0 $0xFFFFF086;
	s6 =	sadd.s32 @!p0 s3, s7;
	s7 =	simm.s32 @!p0 $0x108  }
0x21: {  	s3 =	sadd.s32 s3, s9;
	s6 =	sadd.s32 @!p0 $0x88, s6;
	s7 =	simm.s32 @p2 $0x1082  }
0x22: {  	[simem:s7], [sflag:s8] =	dma.local @!p0 [hbm:s6], $0xF7A  }
0x23: {  	s9 =	sor.u32 $0xD0000000, s2;
	s6 =	simm.s32 $0x108;
	_ =	swait.ge @!p0 [sflag:s8], $0x0  }
0x24: {  	s3 =	sadd.s32 $0x88, s3;
	s6 =	simm.s32 @!p1 $0x1082;
	[sflag:s4] =	ssyncset.s32 $0xFFFFF086  }
0x25: {  	[simem:s6], [sflag:s4] =	dma.local [hbm:s3], $0xF7A  }
0x26: {  	[smem:$0x3F9E] =	sst s1;
	(tag) =	ssettag s2;
	_ =	strace s9  }
0x27: {  	s1 =	sld [smem:$0x3FAE]  }
0x28: {  	s2 =	sld [smem:$0x3FAF]  }
0x29: {  	s4 =	sld [smem:$0x3FB1]  }
0x2a: {  	p0 =	seq.s32 s5, $0x0;
	s5 =	sld [smem:$0x3FB2]  }
0x2b: {  	s6 =	sld [smem:$0x3FB3]  }
0x2c: {  	s7 =	sld [smem:$0x3FB4]  }
0x2d: {  	s3 =	simm.s32 $0x108;
	s8 =	sld [smem:$0x3FB5]  }
0x2e: {  	s3 =	simm.s32 @!p0 $0x1082;
	s9 =	sld [smem:$0x3FB6]  }
0x2f: {  	lr =	sadd.s32 s0, s3;
	s0 =	sld [smem:$0x3FAD]  }
0x30: {  	s3 =	sld [smem:$0x3FB0]  }
0x31: {  	[smem:$0x3FB9] =	sst s10  }
0x32: {  	s10 =	sld [smem:$0x3FB7];
	_ =	sdelay $0x3  }
0x33: {  	p0 =	seq.s32 s10, $0x1;
	s10 =	sld [smem:$0x3FB9];
	_ =	sdelay $0x3  }
0x34: {  	[smem:$0x3FB9] =	sst s10  }
0x35: {  	s10 =	sld [smem:$0x3FB8];
	_ =	sdelay $0x3  }
0x36: {  	p1 =	seq.s32 s10, $0x1;
	s10 =	sld [smem:$0x3FB9];
	_ =	sdelay $0x3  }
0x37: {  	[smem:$0x3FB9] =	sst s10  }
0x38: {  	s10 =	sld [smem:$0x3FBA]  }
0x39: {  	_ = 	snop;
	(pc) =	sbr.ind lr, $3  }
0x3a: {  	_ = 	snop  }
0x3b: {  	_ = 	snop  }
0x3c: {  	p2 =	seq.s32 s10, $0x1;
	s10 =	sld [smem:$0x3FB9]  }
0x3d: {  	_ =	shalt  }
0x3e: {  	_ =	shalt  }
0x3f: {  	_ =	shalt  }
0x40: {  	_ =	shalt  }
0x41: {  	_ =	shalt  }
0x42: {  	_ =	shalt  }
0x43: {  	_ =	shalt  }
0x44: {  	_ =	shalt  }
0x45: {  	_ =	shalt  }
0x46: {  	_ =	shalt  }
0x47: {  	_ =	shalt  }
0x48: {  	_ =	shalt  }
0x49: {  	_ =	shalt  }
0x4a: {  	_ =	shalt  }
0x4b: {  	_ =	shalt  }
0x4c: {  	_ =	shalt  }
0x4d: {  	_ =	shalt  }
0x4e: {  	_ =	shalt  }
0x4f: {  	_ =	shalt  }
0x50: {  	_ =	shalt  }
0x51: {  	_ =	shalt  }
0x52: {  	_ =	shalt  }
0x53: {  	_ =	shalt  }
0x54: {  	_ =	shalt  }
0x55: {  	_ =	shalt  }
0x56: {  	_ =	shalt  }
0x57: {  	_ =	shalt  }
0x58: {  	_ =	shalt  }
0x59: {  	_ =	shalt  }
0x5a: {  	_ =	shalt  }
0x5b: {  	_ =	shalt  }
0x5c: {  	_ =	shalt  }
0x5d: {  	_ =	shalt  }
0x5e: {  	_ =	shalt  }
0x5f: {  	_ =	shalt  }
0x60: {  	_ =	shalt  }
0x61: {  	_ =	shalt  }
0x62: {  	_ =	shalt  }
0x63: {  	_ =	shalt  }
0x64: {  	_ =	shalt  }
0x65: {  	_ =	shalt  }
0x66: {  	_ =	shalt  }
0x67: {  	_ =	shalt  }
0x68: {  	_ =	shalt  }
0x69: {  	_ =	shalt  }
0x6a: {  	_ =	shalt  }
0x6b: {  	_ =	shalt  }
0x6c: {  	_ =	shalt  }
0x6d: {  	_ =	shalt  }
0x6e: {  	_ =	shalt  }
0x6f: {  	_ =	shalt  }
0x70: {  	_ =	shalt  }
0x71: {  	_ =	shalt  }
0x72: {  	_ =	shalt  }
0x73: {  	_ =	shalt  }
0x74: {  	_ =	shalt  }
0x75: {  	_ =	shalt  }
0x76: {  	_ =	shalt  }
0x77: {  	_ =	shalt  }
0x78: {  	_ =	shalt  }
0x79: {  	_ =	shalt  }
0x7a: {  	_ =	shalt  }
0x7b: {  	_ =	shalt  }
0x7c: {  	_ =	shalt  }
0x7d: {  	_ =	shalt  }
0x7e: {  	_ =	shalt  }
0x7f: {  	_ =	shalt  }
0x80: {  	_ =	shalt  }
0x81: {  	_ =	shalt  }
0x82: {  	_ =	shalt  }
0x83: {  	_ =	shalt  }
0x84: {  	_ =	shalt  }
0x85: {  	_ =	shalt  }
0x86: {  	_ =	shalt  }
0x87: {  	_ =	shalt  }
.Lfunc_end0:
.L_simem_size_0:
called_computation_lowered:
.L_overlay_start_0:
0x88: {  	s2 =	sld [smem:$0x3FD9]  }
0x89: {  	s3 =	sld [smem:$0x3FFE];
	_ =	sdelay $0x1  }
0x8a: {  	s1 =	srdreg.scid  }
0x8b: {  	s0 =	sand.u32 $0x1, s1  }
0x8c: {  	s17 =	sshll.u32 s0, $0xA;
	s2 =	sadd.s32 s3, s2  }
0x8d: {  	s2 =	sadd.s32 s2, s17  }
0x8e: {  	[smem:$0x3FC5] =	sst s2  }
0x8f: {  	_ = 	snop  }
0x90: {  	s2 =	sld [smem:$0x3FC8]  }
0x91: {  	s18 =	sld [smem:$0x3FD0];
	(tm) =	ssettm $0x1  }
0x92: {  	s4 =	sld [smem:$0x3FFB];
	_ =	sdelay $0x3  }
0x93: {  	_ =	strace s4  }
0x94: {  	s4 =	sld [smem:$0x3FFC];
	_ =	sdelay $0x3  }
0x95: {  	_ =	strace s4  }
0x96: {  	s4 =	sld [smem:$0x3FFD];
	_ =	sdelay $0x3  }
0x97: {  	_ =	strace s4  }
0x98: {  	_ =	strace $0x8FFFFFFF  }
0x99: {  	s19 =	sld [smem:$0x3FDB];
	_ =	sdelay $0x1  }
0x9a: {  	s5 =	simm.s32 $_scs_section_size  }
0x9b: {  	s6 =	simm.s32 $_size__tile_overlayer_lowered;
	s7 =	simm.s32 $_tile_overlayer_lowered  }
0x9c: {  	s22 =	simm.s32 $0x1BFF;
	s21 =	sshll.u32 s7, $0x1;
	s4 =	sadd.s32 s5, s19  }
0x9d: {  	s8 =	simm.s32 $0x0;
	s20 =	sshll.u32 s6, $0x1;
	s6 =	sadd.s32 s21, s4  }
0x9e: {  	[timem:s8], [sflag:s22] =	dma.local [hbm:s6], s20  }
0x9f: {  	_ =	swait.ge [sflag:s22], s20  }
0xa0: {  	s5 =	ssub.s32 $0x0, s20;
	[sflag:s22] =	ssyncset.done $0x0  }
0xa1: {  	[sflag:s22] =	ssyncadd.s32 s5;
	_ =	sdelay $0x1  }
0xa2: {  	s23 =	simm.s32 $0x1B8B  }
0xa3: {  	_ =	swait.ge [sflag:s23], $0x1  }
0xa4: {  	[sflag:s23] =	ssyncset.done $0x0  }
0xa5: {  	s25 =	simm.s32 $0x1B8E;
	s24 =	sld [smem:$0x3FFE];
	[sflag:s23] =	ssyncadd.s32 $0xFFFFFFFF  }
0xa6: {  	s26 =	simm.s32 $execute0_lowered;
	[smem:$0x3FD2] =	sst s25  }
0xa7: {  	s6 =	sshll.u32 s26, $0x1;
	_ =	strace $0x80000046;
	[dreg:$0x1] =	wrdreg $0xFFFFFFFF  }
0xa8: {  	s28 =	simm.s32 $_size_execute0_lowered;
	s4 =	sadd.s32 s4, s6;
	[dreg:$0x0] =	wrdreg $0x0  }
0xa9: {  	s6 =	sshll.u32 s28, $0x1;
	[dreg:$0x2] =	wrdreg s4  }
0xaa: {  	[dreg:$0x3] =	wrdreg s6  }
0xab: {  	[dreg:$0x4] =	wrdreg $0xC0  }
0xac: {  	_ =	task [dreg:s8], $0x5FFFF  }
0xad: {  	[dreg:$0x1] =	wrdreg $0xFFFFFFFF  }
0xae: {  	[dreg:$0x0] =	wrdreg $0x60  }
0xaf: {  	[dreg:$0x2] =	wrdreg s24  }
0xb0: {  	[dreg:$0x3] =	wrdreg s2  }
0xb1: {  	[dreg:$0x4] =	wrdreg s18  }
0xb2: {  	[dreg:$0x5] =	wrdreg $0x9  }
0xb3: {  	_ =	task.clear_ibuf [dreg:s8], $0x6FFFF;
	_ =	strace $0x90000046  }
0xb4: {  	s29 =	simm.s32 $0x9;
	_ =	strace $0x80000048  }
0xb5: {  	_ =	swait.ge [sflag:s29], $0x1  }
0xb6: {  	[sflag:s29] =	ssyncadd.s32 $0xFFFFFFFF  }
0xb7: {  	_ =	strace $0x90000048  }
0xb8: {  	_ =	sfence  }
0xb9: {  	s30 =	sld [smem:$0x0];
	_ =	sdelay $0x2  }
0xba: {  	s31 =	sshll.u32 s1, $0xD;
	s1 =	sshrl.u32 s1, $0x2  }
0xbb: {  	s3 =	sand.u32 $0x4000, s31;
	s1 =	sadd.s32 s1, s30  }
0xbc: {  	s0 =	sor.u32 s3, s0;
	s1 =	sshll.u32 s1, $0x11  }
0xbd: {  	s0 =	sor.u32 s1, s0  }
0xbe: {  	s0 =	sadd.s32 $0x8F2B, s0  }
0xbf: {  	[sflag:s0] =	ssyncadd.remote.s32 $0x1  }
0xc0: {  	_ =	sfence.sel $0xFFFF  }
0xc1: {  	[dreg:$0x0] =	wrdreg $0xFFFFFFFF;
	(pc) =	sbr.abs _section_cstart, $3  }
0xc2: {  	[dreg:$0x1] =	wrdreg $0xFFFFFFFF  }
0xc3: {  	_ =	task.clear_ibuf [dreg:s8], $0x2FFFF;
	_ =	strace $0x9FFFFFFF  }
0xc4: {  	(tm) =	ssettm $0x7FFFFFFF  }
0xc5: {  	_ =	shalt  }
tec
execute0_lowered:
.L_overlay_start_1:
0x0: {  	(tag) =	ssettag $0x1  }
0x1: {  	s0 =	rddreg [dreg:$0x0]  }
0x2: {  	s2 =	rddreg [dreg:$0x1]  }
0x3: {  	s3 =	rddreg [dreg:$0x2]  }
0x4: {  	s1 =	srdreg.scid;
	s5 =	stileid.u32;
	s4 =	simm.s32 $0x0  }
0x5: {  	s14 =	simm.s32 $0x200;
	s15 =	simm.s32 $0x1;
	s16 =	simm.s32 $0x32  }
0x6: {  	s17 =	simm.s32 $0x600;
	s24 =	simm.s32 $0x2;
	s28 =	simm.s32 $0x8300  }
0x7: {  	s29 =	simm.s32 $0x300;
	s30 =	simm.s32 $0x9C00;
	s31 =	simm.s32 $0x380  }
0x8: {  	s12 =	simm.s32 $0x5;
	s11 =	simm.s32 $0x6;
	s13 =	simm.s32 $0x0  }
0x9: {  	s1 =	sand.u32 $0x1, s1;
	s5 =	sshll.u32 s5, $0x6;
	[smem:$0x7FF] =	sst s4  }
0xa: {  	s8 =	sadd.s32 $0x400, s0;
	s9 =	sadd.s32 $0x1280, s0;
	s6 =	sshll.u32 s1, $0x5  }
0xb: {  	s1 =	ssub.s32 $0x2, s1;
	_ =	strace $0x80000047;
	s5 =	sor.u32 s6, s5  }
0xc: {  	[dreg:$0x4] =	wrdreg s8;
	s7 =	sshrl.u32 s1, $0x1;
	s6 =	sshll.u32 s5, $0x6  }
.Ltmp0:
0xd: {  	s1 =	ssub.s32 s1, s7;
	s10 =	sor.u32 $0x2, s5;
	(pc) =	sbr.rel .LBB2_1-.Ltmp0, $4  }
0xe: {  	s7 =	simm.s32 $0x7;
	s6 =	sadd.s32 s6, s0;
	s26 =	smax.u32 s1, $0x1  }
0xf: {  	s0 =	simm.s32 $0xB500;
	s25 =	sadd.s32 $0x1200, s6;
	[dreg:$0x7] =	wrdreg s26  }
0x10: {  	s1 =	simm.s32 $0x4;
	s6 =	sadd.s32 $0x1240, s6;
	[dreg:$0x5] =	wrdreg s25  }
0x11: {  	s26 =	simm.s32 $0x280;
	[dreg:$0x6] =	wrdreg s6;
	s25 =	simm.s32 $0x6A00  }
.LBB2_10:
0x12: {  	s6 =	simm.s32 $0x9  }
0x13: {  	_ =	swait.ge [sflag:s6], $0x6400  }
0x14: {  	[sflag:s6] =	ssyncset.done $0x0  }
0x15: {  	[sflag:s6] =	ssyncadd.s32 $0xFFFF9C00  }
0x16: {  	_ =	swait.ge [sflag:s7], $0x6400  }
0x17: {  	[sflag:s7] =	ssyncset.done $0x0  }
0x18: {  	s8 =	simm.s32 $0x8;
	[sflag:s7] =	ssyncadd.s32 $0xFFFF9C00  }
0x19: {  	_ =	swait.ge [sflag:s8], $0x6400  }
0x1a: {  	s13 =	rddreg [dreg:$0x8]  }
0x1b: {  	s23 =	rddreg [dreg:$0x7];
	s13 =	sadd.s32 $0x1, s13  }
0x1c: {  	p0 =	sne.s32 s13, s23  }
.Ltmp1:
0x1d: {  	_ = 	snop;
	(pc) =	sbr.rel @!p0 .LBB2_11-.Ltmp1, $3  }
0x1e: {  	_ =	sdelay $0x1  }
0x1f: {  	[sflag:s8] =	ssyncset.done $0x0  }
0x20: {  	[sflag:s8] =	ssyncadd.s32 $0xFFFF9C00  }
.LBB2_1:
0x21: {  	[dreg:$0x8] =	wrdreg s13  }
0x22: {  	s6 =	rddreg [dreg:$0x4];
	s8 =	simm.s32 $0x13200;
	s23 =	simm.s32 $0xA  }
0x23: {  	[tilespmem:s8], [sflag:$0xA] =	stream.linear.gather [hbm4b:s6+s4], $0x6400, $0x38;
	[tilespmem:$0x19600] =	vst v63  }
0x24: {  	_ =	swait.ge [sflag:s23], $0x6400  }
0x25: {  	[sflag:s23] =	ssyncset.done $0x0  }
0x26: {  	s8 =	rddreg [dreg:$0x5];
	[sflag:s23] =	ssyncadd.s32 $0xFFFF9C00  }
0x27: {  	[tilespmem:s4], [sflag:$0x1] =	stream.linear.gather [hbm4b:s8+s4], $0x200, $0x38;
	[tilespmem:$0x19600] =	vst v63  }
0x28: {  	s13 =	rddreg [dreg:$0x6]  }
0x29: {  	[tilespmem:s14], [sflag:$0x2] =	stream.linear.gather [hbm4b:s13+s4], $0x200, $0x38;
	[tilespmem:$0x19600] =	vst v63  }
0x2a: {  	_ =	swait.ge [sflag:s15], $0x200  }
0x2b: {  	[sflag:s15] =	ssyncset.done $0x0  }
0x2c: {  	[sflag:s15] =	ssyncadd.s32 $0xFFFFFE00  }
0x2d: {  	[tilespmem:s17], [sflag:$0x4] =	stream.indirect.gather [hbm4b:s2+s16], $0x80, s4, s16, $0xb8;
	[tilespmem:$0x19600] =	vst v63  }
0x2e: {  	s18 =	simm.s32 $0x80;
	s19 =	simm.s32 $0x1F00  }
0x2f: {  	[tilespmem:s19], [sflag:$0x4] =	stream.indirect.gather [hbm4b:s2+s16], $0x80, s18, s16, $0xb8;
	[tilespmem:$0x19600] =	vst v63  }
0x30: {  	s20 =	simm.s32 $0x100;
	s21 =	simm.s32 $0x3800  }
0x31: {  	[tilespmem:s21], [sflag:$0x4] =	stream.indirect.gather [hbm4b:s2+s16], $0x80, s20, s16, $0xb8;
	[tilespmem:$0x19600] =	vst v63  }
0x32: {  	s22 =	simm.s32 $0x180;
	s23 =	simm.s32 $0x5100;
	s8 =	simm.s32 $0x0  }
0x33: {  	[tilespmem:s23], [sflag:$0x4] =	stream.indirect.gather [hbm4b:s2+s16], $0x80, s22, s16, $0xb8;
	[tilespmem:$0x19600] =	vst v63  }
.LBB2_2:
0x34: {  	_ =	swait.ge [sflag:s24], $0x200  }
0x35: {  	p0 =	seq.s32 s8, $0x0;
	[sflag:s24] =	ssyncset.done $0x0  }
0x36: {  	s6 =	simm.s32 @!p0 $0x8;
	[sflag:s24] =	ssyncadd.s32 $0xFFFFFE00  }
0x37: {  	_ =	swait.ge @!p0 [sflag:s6], $0x6400  }
0x38: {  	[sflag:s6] =	ssyncset.done @!p0 $0x0  }
0x39: {  	[sflag:s6] =	ssyncadd.s32 @!p0 $0xFFFF9C00  }
0x3a: {  	[tilespmem:s25], [sflag:$0x5] =	stream.indirect.gather [hbm4b:s2+s16], $0x80, s14, s16, $0xb8;
	[tilespmem:$0x19600] =	vst v63  }
0x3b: {  	s6 =	smul.u32 $0x3, s8;
	p0 =	seq.s32 s8, $0xA  }
0x3c: {  	[tilespmem:s28], [sflag:$0x5] =	stream.indirect.gather [hbm4b:s2+s16], $0x80, s26, s16, $0xb8;
	[tilespmem:$0x19600] =	vst v63  }
0x3d: {  	s13 =	sadd.s32 @!p0 s5, s6  }
0x3e: {  	[tilespmem:s30], [sflag:$0x5] =	stream.indirect.gather [hbm4b:s2+s16], $0x80, s29, s16, $0xb8;
	[tilespmem:$0x19600] =	vst v63  }
0x3f: {  	s13 =	sshll.u32 @!p0 s13, $0x6  }
0x40: {  	[tilespmem:s0], [sflag:$0x5] =	stream.indirect.gather [hbm4b:s2+s16], $0x80, s31, s16, $0xb8;
	[tilespmem:$0x19600] =	vst v63  }
0x41: {  	s18 =	simm.s32 @!p0 $0x0;
	s19 =	simm.s32 @!p0 $0x400;
	s13 =	sadd.s32 @!p0 s13, s9  }
0x42: {  	[tilespmem:s19], [sflag:$0x3] =	stream.linear.gather @!p0 [hbm4b:s13+s18], $0x200, $0x38;
	[tilespmem:$0x19600] =	vst v63  }
0x43: {  	_ =	swait.ge [sflag:s1], $0x1900  }
0x44: {  	[sflag:s1] =	ssyncset.done $0x0  }
0x45: {  	[sflag:s1] =	ssyncadd.s32 $0xFFFFE700  }
0x46: {  	_ =	swait.ge [sflag:s1], $0x1900  }
0x47: {  	[sflag:s1] =	ssyncset.done $0x0  }
0x48: {  	[sflag:s1] =	ssyncadd.s32 $0xFFFFE700  }
0x49: {  	_ =	swait.ge [sflag:s1], $0x1900  }
0x4a: {  	[sflag:s1] =	ssyncset.done $0x0  }
0x4b: {  	[sflag:s1] =	ssyncadd.s32 $0xFFFFE700  }
0x4c: {  	_ =	swait.ge [sflag:s1], $0x1900  }
0x4d: {  	[sflag:s1] =	ssyncset.done $0x0  }
0x4e: {  	s13 =	simm.s32 $0x700;
	[sflag:s1] =	ssyncadd.s32 $0xFFFFE700  }
0x4f: {  	v0 =	vld [tilespmem:s13+$0x80]  }
0x50: {  	s20 =	simm.s32 $0x13300;
	v1 =	vld [tilespmem:s13+$0xFFFFFF80]  }
0x51: {  	v2 =	vld [tilespmem:s20+$0x80]  }
0x52: {  	v3 =	vld [tilespmem:s13+$0xFFFFFF00]  }
0x53: {  	v4 =	vld [tilespmem:s13+$0x0]  }
0x54: {  	v5 =	vld [tilespmem:s20+$0xFFFFFF00]  }
0x55: {  	v6 =	vld [tilespmem:s20+$0xFFFFFF80]  }
0x56: {  	v7 =	vld [tilespmem:s20+$0x0]  }
0x57: {  	s18 =	simm.s32 $0x900;
	v8 =	vld [tilespmem:s13+$0xFFFFFF10]  }
0x58: {  	s19 =	simm.s32 $0x13500;
	v10 =	vld [tilespmem:s18+$0xFFFFFF80];
	v0 =	vmul.f32 $1.131370830e+01, v0  }
0x59: {  	v11 =	vld [tilespmem:s19+$0x80]  }
0x5a: {  	v12 =	vld [tilespmem:s18+$0xFFFFFF00];
	v3 =	vmul.f32 $1.131370830e+01, v3;
	v0 =	vadd.f32 v2, v0  }
0x5b: {  	v2 =	vld [tilespmem:s13+$0x90]  }
0x5c: {  	v13 =	vld [tilespmem:s18+$0x0];
	v1 =	vmul.f32 $1.131370830e+01, v1;
	v3 =	vadd.f32 v5, v3;
	[tilespmem:s13+$0x80] =	vst v0  }
0x5d: {  	v0 =	vld [tilespmem:s20+$0x90]  }
0x5e: {  	v4 =	vmul.f32 $1.131370830e+01, v4;
	v1 =	vadd.f32 v6, v1;
	v5 =	vld [tilespmem:s13+$0xFFFFFF90];
	[tilespmem:s13+$0xFFFFFF00] =	vst v3  }
0x5f: {  	v3 =	vld [tilespmem:s20+$0xFFFFFF10]  }
0x60: {  	v6 =	vld [tilespmem:s13+$0x10];
	[tilespmem:s13+$0xFFFFFF80] =	vst v1;
	v1 =	vadd.f32 v7, v4;
	v2 =	vmul.f32 $1.131370830e+01, v2  }
0x61: {  	v4 =	vld [tilespmem:s20+$0xFFFFFF90]  }
0x62: {  	[tilespmem:s13+$0x0] =	vst v1;
	v1 =	vld [tilespmem:s13+$0xA0];
	v0 =	vadd.f32 v0, v2;
	v2 =	vmul.f32 $1.131370830e+01, v8  }
0x63: {  	v8 =	vld [tilespmem:s20+$0x10]  }
0x64: {  	v7 =	vld [tilespmem:s13+$0xFFFFFF20];
	v5 =	vmul.f32 $1.131370830e+01, v5;
	[tilespmem:s13+$0x90] =	vst v0;
	v2 =	vadd.f32 v3, v2  }
0x65: {  	v0 =	vld [tilespmem:s20+$0xA0]  }
0x66: {  	v4 =	vadd.f32 v4, v5;
	v5 =	vmul.f32 $1.131370830e+01, v6;
	v3 =	vld [tilespmem:s13+$0xFFFFFFA0];
	[tilespmem:s13+$0xFFFFFF10] =	vst v2  }
0x67: {  	v2 =	vld [tilespmem:s20+$0xFFFFFF20]  }
0x68: {  	v6 =	vld [tilespmem:s13+$0x20];
	v1 =	vmul.f32 $1.131370830e+01, v1;
	[tilespmem:s13+$0xFFFFFF90] =	vst v4;
	v4 =	vadd.f32 v8, v5  }
0x69: {  	v5 =	vld [tilespmem:s20+$0xFFFFFFA0]  }
0x6a: {  	[tilespmem:s13+$0x10] =	vst v4;
	v4 =	vld [tilespmem:s13+$0xB0];
	v0 =	vadd.f32 v0, v1;
	v1 =	vmul.f32 $1.131370830e+01, v7  }
0x6b: {  	v7 =	vld [tilespmem:s20+$0x20]  }
0x6c: {  	v8 =	vld [tilespmem:s13+$0xFFFFFF30];
	v3 =	vmul.f32 $1.131370830e+01, v3;
	[tilespmem:s13+$0xA0] =	vst v0;
	v1 =	vadd.f32 v2, v1  }
0x6d: {  	v0 =	vld [tilespmem:s20+$0xB0]  }
0x6e: {  	v2 =	vld [tilespmem:s13+$0xFFFFFFB0];
	v3 =	vadd.f32 v5, v3;
	v5 =	vmul.f32 $1.131370830e+01, v6;
	[tilespmem:s13+$0xFFFFFF20] =	vst v1  }
0x6f: {  	v1 =	vmul.f32 $1.131370830e+01, v4;
	v4 =	vld [tilespmem:s20+$0xFFFFFF30]  }
0x70: {  	v6 =	vld [tilespmem:s13+$0x30];
	[tilespmem:s13+$0xFFFFFFA0] =	vst v3;
	v3 =	vadd.f32 v7, v5  }
0x71: {  	v5 =	vld [tilespmem:s20+$0xFFFFFFB0]  }
0x72: {  	[tilespmem:s13+$0x20] =	vst v3;
	v3 =	vld [tilespmem:s13+$0xC0];
	v0 =	vadd.f32 v0, v1;
	v1 =	vmul.f32 $1.131370830e+01, v8  }
0x73: {  	v8 =	vld [tilespmem:s20+$0x30]  }
0x74: {  	v7 =	vld [tilespmem:s13+$0xFFFFFF40];
	v2 =	vmul.f32 $1.131370830e+01, v2;
	[tilespmem:s13+$0xB0] =	vst v0;
	v1 =	vadd.f32 v4, v1  }
0x75: {  	v0 =	vld [tilespmem:s20+$0xC0]  }
0x76: {  	v4 =	vld [tilespmem:s13+$0xFFFFFFC0];
	v2 =	vadd.f32 v5, v2;
	v5 =	vmul.f32 $1.131370830e+01, v6;
	[tilespmem:s13+$0xFFFFFF30] =	vst v1  }
0x77: {  	v1 =	vmul.f32 $1.131370830e+01, v3;
	v3 =	vld [tilespmem:s20+$0xFFFFFF40]  }
0x78: {  	v6 =	vld [tilespmem:s13+$0x40];
	[tilespmem:s13+$0xFFFFFFB0] =	vst v2;
	v2 =	vadd.f32 v8, v5  }
0x79: {  	v5 =	vld [tilespmem:s20+$0xFFFFFFC0]  }
0x7a: {  	[tilespmem:s13+$0x30] =	vst v2;
	v2 =	vld [tilespmem:s13+$0xD0];
	v0 =	vadd.f32 v0, v1;
	v1 =	vmul.f32 $1.131370830e+01, v7  }
0x7b: {  	v8 =	vld [tilespmem:s13+$0xFFFFFF50]  }
0x7c: {  	v7 =	vld [tilespmem:s20+$0x40];
	[tilespmem:s13+$0xC0] =	vst v0;
	v1 =	vadd.f32 v3, v1  }
0x7d: {  	v4 =	vmul.f32 $1.131370830e+01, v4;
	v0 =	vld [tilespmem:s20+$0xD0]  }
0x7e: {  	v14 =	vld [tilespmem:s19+$0xFFFFFF00];
	[tilespmem:s13+$0xFFFFFF40] =	vst v1  }
0x7f: {  	v4 =	vadd.f32 v5, v4;
	v5 =	vmul.f32 $1.131370830e+01, v6;
	v1 =	vmul.f32 $1.131370830e+01, v2;
	v2 =	vld [tilespmem:s20+$0xFFFFFF50]  }
0x80: {  	v15 =	vld [tilespmem:s19+$0xFFFFFF80]  }
0x81: {  	v16 =	vld [tilespmem:s19+$0x0];
	[tilespmem:s13+$0xFFFFFFC0] =	vst v4;
	v4 =	vadd.f32 v7, v5  }
0x82: {  	v17 =	vld [tilespmem:s18+$0xFFFFFF10];
	v0 =	vadd.f32 v0, v1;
	v1 =	vmul.f32 $1.131370830e+01, v8  }
0x83: {  	[tilespmem:s13+$0x40] =	vst v4;
	v4 =	vld [tilespmem:s13+$0xE0]  }
0x84: {  	v7 =	vld [tilespmem:s13+$0xFFFFFF60];
	[tilespmem:s13+$0xD0] =	vst v0;
	v1 =	vadd.f32 v2, v1  }
0x85: {  	v0 =	vld [tilespmem:s20+$0xE0]  }
0x86: {  	v26 =	vld [tilespmem:s18+$0xFFFFFF90];
	[tilespmem:s13+$0xFFFFFF50] =	vst v1  }
0x87: {  	v9 =	vld [tilespmem:s20+$0xFFFFFF60]  }
0x88: {  	v27 =	vld [tilespmem:s18+$0x10];
	v1 =	vmul.f32 $1.131370830e+01, v4  }
0x89: {  	v28 =	vld [tilespmem:s18+$0xFFFFFF20]  }
0x8a: {  	v29 =	vld [tilespmem:s18+$0xA0];
	v0 =	vadd.f32 v0, v1;
	v1 =	vmul.f32 $1.131370830e+01, v7  }
0x8b: {  	v32 =	vld [tilespmem:s18+$0xFFFFFFA0]  }
0x8c: {  	v36 =	vld [tilespmem:s18+$0xB0];
	v9 =	vadd.f32 v9, v1  }
0x8d: {  	v39 =	vld [tilespmem:s18+$0xFFFFFFB0]  }
0x8e: {  	[tilespmem:s13+$0xFFFFFF60] =	vst v9;
	v9 =	vld [tilespmem:s18+$0x80]  }
0x8f: {  	v40 =	vld [tilespmem:s18+$0x30]  }
0x90: {  	v47 =	vld [tilespmem:s18+$0xFFFFFFC0]  }
0x91: {  	v48 =	vld [tilespmem:s18+$0x40]  }
0x92: {  	v49 =	vld [tilespmem:s18+$0xFFFFFF50]  }
0x93: {  	v51 =	vld [tilespmem:s18+$0xD0];
	v9 =	vmul.f32 $1.131370830e+01, v9  }
0x94: {  	v54 =	vld [tilespmem:s18+$0x50]  }
0x95: {  	v57 =	vld [tilespmem:s18+$0xE0];
	v9 =	vadd.f32 v11, v9  }
0x96: {  	v12 =	vmul.f32 $1.131370830e+01, v12;
	v11 =	vld [tilespmem:s18+$0x90]  }
0x97: {  	v59 =	vld [tilespmem:s18+$0xFFFFFFE0];
	v13 =	vmul.f32 $1.131370830e+01, v13;
	[tilespmem:s18+$0x80] =	vst v9  }
0x98: {  	v12 =	vadd.f32 v14, v12;
	v9 =	vmul.f32 $1.131370830e+01, v10;
	v10 =	vld [tilespmem:s19+$0x90]  }
0x99: {  	v60 =	vld [tilespmem:s18+$0x60];
	v13 =	vadd.f32 v16, v13  }
0x9a: {  	v61 =	vld [tilespmem:s18+$0xFFFFFF70];
	[tilespmem:s18+$0xFFFFFF00] =	vst v12;
	v9 =	vadd.f32 v15, v9  }
0x9b: {  	[tilespmem:s18+$0x0] =	vst v13;
	v12 =	vld [tilespmem:s19+$0xFFFFFF10];
	v11 =	vmul.f32 $1.131370830e+01, v11  }
0x9c: {  	v30 =	vld [tilespmem:s19+$0x10];
	[tilespmem:s18+$0xFFFFFF80] =	vst v9  }
0x9d: {  	v9 =	vld [tilespmem:s19+$0xFFFFFF90];
	v10 =	vadd.f32 v10, v11  }
0x9e: {  	v3 =	vld [tilespmem:s13+$0xFFFFFFD0]  }
0x9f: {  	v6 =	vld [tilespmem:s13+$0x50];
	v11 =	vmul.f32 $1.131370830e+01, v17;
	[tilespmem:s18+$0x90] =	vst v10  }
0xa0: {  	v10 =	vmul.f32 $1.131370830e+01, v26;
	v31 =	vld [tilespmem:s19+$0xA0]  }
0xa1: {  	v5 =	vld [tilespmem:s20+$0xFFFFFFD0];
	v11 =	vadd.f32 v12, v11  }
0xa2: {  	v8 =	vld [tilespmem:s20+$0x50];
	v15 =	vmul.f32 $1.131370830e+01, v27;
	v9 =	vadd.f32 v9, v10  }
0xa3: {  	v10 =	vld [tilespmem:s18+$0x20];
	[tilespmem:s18+$0xFFFFFF10] =	vst v11;
	v11 =	vmul.f32 $1.131370830e+01, v29  }
0xa4: {  	v15 =	vadd.f32 v30, v15;
	v33 =	vld [tilespmem:s19+$0xFFFFFF20];
	[tilespmem:s18+$0xFFFFFF90] =	vst v9  }
0xa5: {  	v34 =	vld [tilespmem:s19+$0xFFFFFFA0];
	v11 =	vadd.f32 v31, v11  }
0xa6: {  	v2 =	vld [tilespmem:s13+$0xFFFFFFE0];
	[tilespmem:s18+$0x10] =	vst v15  }
0xa7: {  	v35 =	vmul.f32 $1.131370830e+01, v28;
	v3 =	vmul.f32 $1.131370830e+01, v3;
	v37 =	vld [tilespmem:s19+$0x20];
	[tilespmem:s18+$0xA0] =	vst v11  }
0xa8: {  	v11 =	vmul.f32 $1.131370830e+01, v32;
	v38 =	vld [tilespmem:s19+$0xB0]  }
0xa9: {  	v5 =	vadd.f32 v5, v3;
	v3 =	vld [tilespmem:s13+$0x60];
	v13 =	vadd.f32 v33, v35  }
0xaa: {  	v9 =	vld [tilespmem:s18+$0xFFFFFF30];
	v10 =	vmul.f32 $1.131370830e+01, v10;
	v11 =	vadd.f32 v34, v11  }
0xab: {  	v41 =	vmul.f32 $1.131370830e+01, v36;
	v4 =	vld [tilespmem:s13+$0xFFFFFF70];
	[tilespmem:s18+$0xFFFFFF20] =	vst v13  }
0xac: {  	v10 =	vadd.f32 v37, v10;
	v42 =	vld [tilespmem:s19+$0xFFFFFF30];
	[tilespmem:s18+$0xFFFFFFA0] =	vst v11  }
0xad: {  	v43 =	vld [tilespmem:s19+$0xFFFFFFB0];
	v12 =	vadd.f32 v38, v41  }
0xae: {  	[tilespmem:s18+$0x20] =	vst v10;
	v10 =	vld [tilespmem:s18+$0xC0]  }
0xaf: {  	v6 =	vmul.f32 $1.131370830e+01, v6;
	v9 =	vmul.f32 $1.131370830e+01, v9;
	v44 =	vld [tilespmem:s19+$0x30];
	[tilespmem:s18+$0xB0] =	vst v12  }
0xb0: {  	v45 =	vmul.f32 $1.131370830e+01, v39;
	[tilespmem:s13+$0xFFFFFFD0] =	vst v5;
	v46 =	vld [tilespmem:s19+$0xC0]  }
0xb1: {  	v5 =	vadd.f32 v8, v6;
	v6 =	vld [tilespmem:s20+$0xFFFFFFE0];
	v9 =	vadd.f32 v42, v9  }
0xb2: {  	v17 =	vmul.f32 $1.131370830e+01, v40;
	v11 =	vld [tilespmem:s18+$0xFFFFFF40];
	v12 =	vadd.f32 v43, v45  }
0xb3: {  	v8 =	vld [tilespmem:s13+$0xF0];
	[tilespmem:s18+$0xFFFFFF30] =	vst v9;
	v9 =	vmul.f32 $1.131370830e+01, v10  }
0xb4: {  	v13 =	vadd.f32 v44, v17;
	v10 =	vld [tilespmem:s19+$0xFFFFFF40];
	[tilespmem:s18+$0xFFFFFFB0] =	vst v12  }
0xb5: {  	[tilespmem:s13+$0x50] =	vst v5;
	v50 =	vld [tilespmem:s19+$0xFFFFFFC0];
	v9 =	vadd.f32 v46, v9  }
0xb6: {  	v7 =	vld [tilespmem:s20+$0x60];
	[tilespmem:s18+$0x30] =	vst v13  }
0xb7: {  	v11 =	vmul.f32 $1.131370830e+01, v11;
	v52 =	vld [tilespmem:s19+$0x40];
	[tilespmem:s18+$0xC0] =	vst v9  }
0xb8: {  	v9 =	vmul.f32 $1.131370830e+01, v47;
	v53 =	vld [tilespmem:s19+$0xD0]  }
0xb9: {  	v1 =	vld [tilespmem:s13+$0xFFFFFFF0];
	v10 =	vadd.f32 v10, v11  }
0xba: {  	v16 =	vmul.f32 $1.131370830e+01, v48;
	[tilespmem:s13+$0xE0] =	vst v0;
	v0 =	vld [tilespmem:s13+$0x70];
	v9 =	vadd.f32 v50, v9  }
0xbb: {  	v11 =	vld [tilespmem:s18+$0xFFFFFFD0];
	[tilespmem:s18+$0xFFFFFF40] =	vst v10;
	v10 =	vmul.f32 $1.131370830e+01, v51  }
0xbc: {  	v14 =	vadd.f32 v52, v16;
	v55 =	vld [tilespmem:s19+$0xFFFFFF50];
	[tilespmem:s18+$0xFFFFFFC0] =	vst v9  }
0xbd: {  	v56 =	vld [tilespmem:s19+$0xFFFFFFD0];
	v10 =	vadd.f32 v53, v10  }
0xbe: {  	v2 =	vmul.f32 $1.131370830e+01, v2;
	v5 =	vld [tilespmem:s20+$0xF0];
	[tilespmem:s18+$0x40] =	vst v14  }
0xbf: {  	v12 =	vmul.f32 $1.131370830e+01, v49;
	v58 =	vld [tilespmem:s19+$0x50];
	[tilespmem:s18+$0xD0] =	vst v10  }
0xc0: {  	v2 =	vadd.f32 v6, v2;
	v10 =	vmul.f32 $1.131370830e+01, v11;
	v11 =	vld [tilespmem:s19+$0xE0]  }
0xc1: {  	v6 =	vld [tilespmem:s20+$0xFFFFFF70];
	v12 =	vadd.f32 v55, v12  }
0xc2: {  	[tilespmem:s13+$0xFFFFFFE0] =	vst v2;
	v17 =	vmul.f32 $1.131370830e+01, v54;
	v9 =	vld [tilespmem:s18+$0xFFFFFF60];
	v10 =	vadd.f32 v56, v10  }
0xc3: {  	v2 =	vld [tilespmem:s20+$0xFFFFFFF0];
	v14 =	vmul.f32 $1.131370830e+01, v57;
	[tilespmem:s18+$0xFFFFFF50] =	vst v12  }
0xc4: {  	v3 =	vmul.f32 $1.131370830e+01, v3;
	v62 =	vld [tilespmem:s19+$0xFFFFFF60];
	[tilespmem:s18+$0xFFFFFFD0] =	vst v10;
	v10 =	vadd.f32 v58, v17  }
0xc5: {  	v8 =	vmul.f32 $1.131370830e+01, v8;
	v63 =	vld [tilespmem:s19+$0xFFFFFFE0];
	v11 =	vadd.f32 v11, v14  }
0xc6: {  	v4 =	vmul.f32 $1.131370830e+01, v4;
	v3 =	vadd.f32 v7, v3;
	v7 =	vld [tilespmem:s18+$0xF0];
	[tilespmem:s18+$0x50] =	vst v10  }
0xc7: {  	v5 =	vadd.f32 v5, v8;
	v8 =	vmul.f32 $1.131370830e+01, v9;
	v9 =	vld [tilespmem:s19+$0x60];
	[tilespmem:s18+$0xE0] =	vst v11  }
0xc8: {  	[tilespmem:s13+$0x60] =	vst v3;
	v3 =	vadd.f32 v6, v4;
	v6 =	vmul.f32 $1.131370830e+01, v59;
	v10 =	vld [tilespmem:s19+$0xF0]  }
0xc9: {  	v1 =	vmul.f32 $1.131370830e+01, v1;
	[tilespmem:s13+$0xF0] =	vst v5;
	v4 =	vld [tilespmem:s18+$0xFFFFFFF0];
	v5 =	vadd.f32 v62, v8  }
0xca: {  	[tilespmem:s13+$0xFFFFFF70] =	vst v3;
	v3 =	vld [tilespmem:s18+$0x70];
	v8 =	vmul.f32 $1.131370830e+01, v60;
	v6 =	vadd.f32 v63, v6  }
0xcb: {  	v1 =	vadd.f32 v2, v1;
	v7 =	vmul.f32 $1.131370830e+01, v7;
	v2 =	vld [tilespmem:s20+$0x70];
	[tilespmem:s18+$0xFFFFFF60] =	vst v5  }
0xcc: {  	v5 =	vld [tilespmem:s19+$0xFFFFFF70];
	[tilespmem:s18+$0xFFFFFFE0] =	vst v6;
	v8 =	vadd.f32 v9, v8  }
0xcd: {  	s22 =	simm.s32 $0xB00;
	s21 =	simm.s32 $0x13500;
	v0 =	vmul.f32 $1.131370830e+01, v0;
	s20 =	simm.s32 $0x4;
	[tilespmem:s13+$0xFFFFFFF0] =	vst v1;
	v1 =	vmul.f32 $1.131370830e+01, v61;
	v6 =	vld [tilespmem:s19+$0xFFFFFFF0];
	v7 =	vadd.f32 v10, v7  }
.LBB2_3:
0xce: {  	v9 =	vld [tilespmem:s22+$0x80];
	s20 =	sadd.s32 $0x4, s20;
	v4 =	vmul.f32 $1.131370830e+01, v4;
	[tilespmem:s18+$0x60] =	vst v8  }
0xcf: {  	s19 =	sadd.s32 $0x200, s19;
	v8 =	vld [tilespmem:s22+$0xFFFFFF80];
	p1 =	slt.u32 s20, $0xC4;
	v3 =	vmul.f32 $1.131370830e+01, v3;
	[tilespmem:s18+$0xF0] =	vst v7  }
0xd0: {  	v7 =	vld [tilespmem:s19+$0x80];
	v2 =	vadd.f32 v2, v0  }
0xd1: {  	v10 =	vld [tilespmem:s22+$0x0];
	v1 =	vadd.f32 v5, v1;
	v0 =	vmov v3  }
0xd2: {  	v3 =	vld [tilespmem:s22+$0xFFFFFF00];
	v4 =	vadd.f32 v6, v4;
	[tilespmem:s13+$0x70] =	vst v2;
	s13 =	smov.u32 s18;
	s18 =	smov.u32 s22  }
0xd3: {  	v2 =	vld [tilespmem:s19+$0xFFFFFF00];
	v5 =	vmul.f32 $1.131370830e+01, v9;
	[tilespmem:s13+$0xFFFFFF70] =	vst v1  }
0xd4: {  	v1 =	vmul.f32 $1.131370830e+01, v8;
	v6 =	vld [tilespmem:s19+$0xFFFFFF80];
	[tilespmem:s13+$0xFFFFFFF0] =	vst v4  }
0xd5: {  	v4 =	vld [tilespmem:s19+$0x0];
	v5 =	vadd.f32 v7, v5  }
0xd6: {  	v7 =	vmul.f32 $1.131370830e+01, v10;
	v8 =	vld [tilespmem:s22+$0x90]  }
0xd7: {  	v3 =	vmul.f32 $1.131370830e+01, v3;
	v9 =	vld [tilespmem:s22+$0xFFFFFF10];
	[tilespmem:s22+$0x80] =	vst v5  }
0xd8: {  	v5 =	vld [tilespmem:s19+$0x90]  }
0xd9: {  	v2 =	vadd.f32 v2, v3;
	v1 =	vadd.f32 v6, v1;
	v3 =	vld [tilespmem:s22+$0xFFFFFF90]  }
0xda: {  	v4 =	vadd.f32 v4, v7;
	v6 =	vld [tilespmem:s22+$0x10]  }
0xdb: {  	[tilespmem:s22+$0xFFFFFF00] =	vst v2;
	v2 =	vld [tilespmem:s22+$0xFFFFFF20];
	v7 =	vmul.f32 $1.131370830e+01, v8  }
0xdc: {  	v8 =	vmul.f32 $1.131370830e+01, v9;
	v9 =	vld [tilespmem:s19+$0xFFFFFF10];
	[tilespmem:s22+$0xFFFFFF80] =	vst v1  }
0xdd: {  	v1 =	vld [tilespmem:s19+$0xFFFFFF90];
	[tilespmem:s22+$0x0] =	vst v4;
	v4 =	vadd.f32 v5, v7  }
0xde: {  	v3 =	vmul.f32 $1.131370830e+01, v3;
	v5 =	vld [tilespmem:s22+$0xA0]  }
0xdf: {  	v6 =	vmul.f32 $1.131370830e+01, v6;
	v7 =	vld [tilespmem:s19+$0x10];
	[tilespmem:s22+$0x90] =	vst v4  }
0xe0: {  	v2 =	vmul.f32 $1.131370830e+01, v2;
	v4 =	vld [tilespmem:s19+$0xA0]  }
0xe1: {  	v8 =	vadd.f32 v9, v8;
	v9 =	vld [tilespmem:s22+$0xFFFFFFA0]  }
0xe2: {  	v1 =	vadd.f32 v1, v3;
	v3 =	vld [tilespmem:s22+$0x20]  }
0xe3: {  	[tilespmem:s22+$0xFFFFFF10] =	vst v8;
	v8 =	vld [tilespmem:s22+$0xFFFFFF30];
	v5 =	vmul.f32 $1.131370830e+01, v5  }
0xe4: {  	v10 =	vld [tilespmem:s19+$0xFFFFFF20];
	[tilespmem:s22+$0xFFFFFF90] =	vst v1;
	v1 =	vadd.f32 v7, v6  }
0xe5: {  	v6 =	vld [tilespmem:s19+$0xFFFFFFA0];
	v4 =	vadd.f32 v4, v5  }
0xe6: {  	v5 =	vmul.f32 $1.131370830e+01, v9;
	[tilespmem:s22+$0x10] =	vst v1;
	v1 =	vld [tilespmem:s22+$0xB0]  }
0xe7: {  	v3 =	vmul.f32 $1.131370830e+01, v3;
	v7 =	vld [tilespmem:s19+$0x20];
	[tilespmem:s22+$0xA0] =	vst v4  }
0xe8: {  	v4 =	vmul.f32 $1.131370830e+01, v8;
	v8 =	vld [tilespmem:s19+$0xB0]  }
0xe9: {  	v2 =	vadd.f32 v10, v2;
	v9 =	vld [tilespmem:s22+$0xFFFFFFB0]  }
0xea: {  	v5 =	vadd.f32 v6, v5;
	v6 =	vld [tilespmem:s22+$0x30]  }
0xeb: {  	[tilespmem:s22+$0xFFFFFF20] =	vst v2;
	v2 =	vld [tilespmem:s22+$0xFFFFFF40];
	v1 =	vmul.f32 $1.131370830e+01, v1  }
0xec: {  	v10 =	vld [tilespmem:s19+$0xFFFFFF30];
	[tilespmem:s22+$0xFFFFFFA0] =	vst v5;
	v3 =	vadd.f32 v7, v3  }
0xed: {  	v5 =	vld [tilespmem:s19+$0xFFFFFFB0];
	v1 =	vadd.f32 v8, v1  }
0xee: {  	v7 =	vmul.f32 $1.131370830e+01, v9;
	[tilespmem:s22+$0x20] =	vst v3;
	v3 =	vld [tilespmem:s22+$0xC0]  }
0xef: {  	v6 =	vmul.f32 $1.131370830e+01, v6;
	v8 =	vld [tilespmem:s19+$0x30];
	[tilespmem:s22+$0xB0] =	vst v1  }
0xf0: {  	v1 =	vmul.f32 $1.131370830e+01, v2;
	v2 =	vld [tilespmem:s19+$0xC0]  }
0xf1: {  	v4 =	vadd.f32 v10, v4;
	v9 =	vld [tilespmem:s22+$0xFFFFFFC0]  }
0xf2: {  	v5 =	vadd.f32 v5, v7;
	v7 =	vld [tilespmem:s22+$0x40]  }
0xf3: {  	[tilespmem:s22+$0xFFFFFF30] =	vst v4;
	v4 =	vld [tilespmem:s22+$0xFFFFFF50];
	v3 =	vmul.f32 $1.131370830e+01, v3  }
0xf4: {  	v10 =	vld [tilespmem:s19+$0xFFFFFF40];
	[tilespmem:s22+$0xFFFFFFB0] =	vst v5;
	v5 =	vadd.f32 v8, v6  }
0xf5: {  	v6 =	vld [tilespmem:s19+$0xFFFFFFC0];
	v2 =	vadd.f32 v2, v3  }
0xf6: {  	v3 =	vmul.f32 $1.131370830e+01, v9;
	[tilespmem:s22+$0x30] =	vst v5;
	v5 =	vld [tilespmem:s22+$0xD0]  }
0xf7: {  	v7 =	vmul.f32 $1.131370830e+01, v7;
	v8 =	vld [tilespmem:s19+$0x40];
	[tilespmem:s22+$0xC0] =	vst v2  }
0xf8: {  	v2 =	vmul.f32 $1.131370830e+01, v4;
	v4 =	vld [tilespmem:s19+$0xD0]  }
0xf9: {  	v1 =	vadd.f32 v10, v1;
	v9 =	vld [tilespmem:s22+$0xFFFFFFD0]  }
0xfa: {  	v3 =	vadd.f32 v6, v3;
	v6 =	vld [tilespmem:s22+$0x50]  }
0xfb: {  	[tilespmem:s22+$0xFFFFFF40] =	vst v1;
	v1 =	vld [tilespmem:s22+$0xFFFFFF60];
	v5 =	vmul.f32 $1.131370830e+01, v5  }
0xfc: {  	v10 =	vld [tilespmem:s19+$0xFFFFFF50];
	[tilespmem:s22+$0xFFFFFFC0] =	vst v3;
	v3 =	vadd.f32 v8, v7  }
0xfd: {  	v7 =	vld [tilespmem:s19+$0xFFFFFFD0];
	v4 =	vadd.f32 v4, v5  }
0xfe: {  	v5 =	vmul.f32 $1.131370830e+01, v9;
	[tilespmem:s22+$0x40] =	vst v3;
	v3 =	vld [tilespmem:s22+$0xE0]  }
0xff: {  	v6 =	vmul.f32 $1.131370830e+01, v6;
	v8 =	vld [tilespmem:s19+$0x50];
	[tilespmem:s22+$0xD0] =	vst v4  }
0x100: {  	v4 =	vmul.f32 $1.131370830e+01, v1;
	v1 =	vld [tilespmem:s19+$0xE0]  }
0x101: {  	v2 =	vadd.f32 v10, v2;
	v9 =	vld [tilespmem:s22+$0xFFFFFFE0]  }
0x102: {  	v5 =	vadd.f32 v7, v5;
	v7 =	vld [tilespmem:s22+$0x60]  }
0x103: {  	[tilespmem:s22+$0xFFFFFF50] =	vst v2;
	v2 =	vld [tilespmem:s22+$0xFFFFFF70];
	v3 =	vmul.f32 $1.131370830e+01, v3  }
0x104: {  	v10 =	vld [tilespmem:s19+$0xFFFFFF60];
	[tilespmem:s22+$0xFFFFFFD0] =	vst v5;
	v5 =	vadd.f32 v8, v6  }
0x105: {  	v6 =	vld [tilespmem:s19+$0xFFFFFFE0];
	v1 =	vadd.f32 v1, v3  }
0x106: {  	v3 =	vmul.f32 $1.131370830e+01, v9;
	[tilespmem:s22+$0x50] =	vst v5;
	v5 =	vld [tilespmem:s22+$0xF0]  }
0x107: {  	v7 =	vmul.f32 $1.131370830e+01, v7;
	v8 =	vld [tilespmem:s19+$0x60];
	[tilespmem:s22+$0xE0] =	vst v1  }
0x108: {  	v1 =	vmul.f32 $1.131370830e+01, v2;
	v9 =	vld [tilespmem:s19+$0xF0]  }
.Ltmp2:
0x109: {  	v2 =	vadd.f32 v10, v4;
	v4 =	vld [tilespmem:s22+$0xFFFFFFF0];
	(pc) =	sbr.rel @p1 .LBB2_3-.Ltmp2, $4  }
0x10a: {  	v6 =	vadd.f32 v6, v3;
	v3 =	vld [tilespmem:s22+$0x70]  }
0x10b: {  	[tilespmem:s22+$0xFFFFFF60] =	vst v2;
	v10 =	vmul.f32 $1.131370830e+01, v5;
	v2 =	vld [tilespmem:s21+$0x70];
	s21 =	smov.u32 s19  }
0x10c: {  	v5 =	vld [tilespmem:s19+$0xFFFFFF70];
	[tilespmem:s22+$0xFFFFFFE0] =	vst v6;
	v8 =	vadd.f32 v8, v7  }
0x10d: {  	s22 =	sadd.s32 $0x200, s22;
	v6 =	vld [tilespmem:s19+$0xFFFFFFF0];
	v7 =	vadd.f32 v9, v10  }
0x10e: {  	[tilespmem:s18+$0x60] =	vst v8  }
0x10f: {  	v8 =	vld [tilespmem:s21+$0x70];
	_ =	sdelay $0x1  }
0x110: {  	v4 =	vmul.f32 $1.131370830e+01, v4;
	v0 =	vadd.f32 v2, v0  }
0x111: {  	[tilespmem:s18+$0xF0] =	vst v7;
	v2 =	vmul.f32 $1.131370830e+01, v3;
	v1 =	vadd.f32 v5, v1  }
0x112: {  	s22 =	sadd.s32 s5, s6;
	v3 =	vadd.f32 v6, v4;
	[tilespmem:s13+$0x70] =	vst v0  }
0x113: {  	s13 =	smul.u32 $0xC80, s22;
	[tilespmem:s18+$0xFFFFFF70] =	vst v1;
	v0 =	vadd.f32 v8, v2  }
0x114: {  	[tilespmem:s18+$0xFFFFFFF0] =	vst v3  }
0x115: {  	s13 =	sadd.s32 s3, s13;
	[tilespmem:s18+$0x70] =	vst v0  }
0x116: {  	[hbm4b:s13+s4] =	stream.linear.scatter [tilespmem:s17], [sflag:$0x7], $0x6400, $0x38;
	[tilespmem:$0x19600] =	vst v63  }
0x117: {  	s13 =	simm.s32 @!p0 $0x3  }
0x118: {  	p1 =	seq.s32 @!p0 s8, $0x0;
	_ =	swait.ge @!p0 [sflag:s13], $0x200  }
0x119: {  	p1 =	por p1, p0;
	[sflag:s13] =	ssyncset.done @!p0 $0x0  }
0x11a: {  	[sflag:s13] =	ssyncadd.s32 @!p0 $0xFFFFFE00;
	s13 =	simm.s32 @!p1 $0x9  }
0x11b: {  	_ =	swait.ge @!p1 [sflag:s13], $0x6400  }
0x11c: {  	s19 =	simm.s32 @!p0 $0xCE00;
	[sflag:s13] =	ssyncset.done @!p1 $0x0  }
0x11d: {  	s18 =	simm.s32 @!p0 $0x32;
	[sflag:s13] =	ssyncadd.s32 @!p1 $0xFFFF9C00;
	s13 =	simm.s32 @!p0 $0x400  }
0x11e: {  	[tilespmem:s19], [sflag:$0x6] =	stream.indirect.gather @!p0 [hbm4b:s2+s18], $0x80, s13, s18, $0xb8;
	[tilespmem:$0x19600] =	vst v63  }
0x11f: {  	s13 =	simm.s32 @!p0 $0x480;
	s19 =	simm.s32 @!p0 $0xE700  }
0x120: {  	[tilespmem:s19], [sflag:$0x6] =	stream.indirect.gather @!p0 [hbm4b:s2+s18], $0x80, s13, s18, $0xb8;
	[tilespmem:$0x19600] =	vst v63  }
0x121: {  	s13 =	simm.s32 @!p0 $0x500;
	s19 =	simm.s32 @!p0 $0x10000  }
0x122: {  	[tilespmem:s19], [sflag:$0x6] =	stream.indirect.gather @!p0 [hbm4b:s2+s18], $0x80, s13, s18, $0xb8;
	[tilespmem:$0x19600] =	vst v63  }
0x123: {  	s20 =	simm.s32 @!p0 $0x11900;
	s13 =	sadd.s32 $0x1, s6;
	s19 =	simm.s32 @!p0 $0x580  }
0x124: {  	[tilespmem:s20], [sflag:$0x6] =	stream.indirect.gather @!p0 [hbm4b:s2+s18], $0x80, s19, s18, $0xb8;
	[tilespmem:$0x19600] =	vst v63  }
0x125: {  	s18 =	sadd.s32 @!p0 s5, s13  }
0x126: {  	s18 =	sshll.u32 @!p0 s18, $0x6  }
0x127: {  	s19 =	simm.s32 @!p0 $0x0;
	s18 =	sadd.s32 @!p0 s18, s9  }
0x128: {  	[tilespmem:s19], [sflag:$0x1] =	stream.linear.gather @!p0 [hbm4b:s18+s19], $0x200, $0x38;
	[tilespmem:$0x19600] =	vst v63  }
0x129: {  	_ =	swait.ge [sflag:s12], $0x1900  }
0x12a: {  	[sflag:s12] =	ssyncset.done $0x0  }
0x12b: {  	[sflag:s12] =	ssyncadd.s32 $0xFFFFE700  }
0x12c: {  	_ =	swait.ge [sflag:s12], $0x1900  }
0x12d: {  	[sflag:s12] =	ssyncset.done $0x0  }
0x12e: {  	[sflag:s12] =	ssyncadd.s32 $0xFFFFE700  }
0x12f: {  	_ =	swait.ge [sflag:s12], $0x1900  }
0x130: {  	[sflag:s12] =	ssyncset.done $0x0  }
0x131: {  	[sflag:s12] =	ssyncadd.s32 $0xFFFFE700  }
0x132: {  	_ =	swait.ge [sflag:s12], $0x1900  }
0x133: {  	[sflag:s12] =	ssyncset.done $0x0  }
0x134: {  	s18 =	simm.s32 $0x6B00;
	[sflag:s12] =	ssyncadd.s32 $0xFFFFE700  }
0x135: {  	v0 =	vld [tilespmem:s18+$0x80]  }
0x136: {  	s23 =	simm.s32 $0x13300;
	v1 =	vld [tilespmem:s18+$0xFFFFFF80]  }
0x137: {  	v2 =	vld [tilespmem:s23+$0x80]  }
0x138: {  	v3 =	vld [tilespmem:s18+$0xFFFFFF00]  }
0x139: {  	v4 =	vld [tilespmem:s18+$0x0]  }
0x13a: {  	v5 =	vld [tilespmem:s23+$0xFFFFFF00]  }
0x13b: {  	v6 =	vld [tilespmem:s23+$0xFFFFFF80]  }
0x13c: {  	v7 =	vld [tilespmem:s23+$0x0]  }
0x13d: {  	s19 =	simm.s32 $0x6D00;
	v8 =	vld [tilespmem:s18+$0xFFFFFF10]  }
0x13e: {  	s20 =	simm.s32 $0x13500;
	v10 =	vld [tilespmem:s19+$0xFFFFFF80];
	v0 =	vmul.f32 $1.131370830e+01, v0  }
0x13f: {  	v11 =	vld [tilespmem:s20+$0x80]  }
0x140: {  	v12 =	vld [tilespmem:s19+$0xFFFFFF00];
	v3 =	vmul.f32 $1.131370830e+01, v3;
	v0 =	vadd.f32 v2, v0  }
0x141: {  	v2 =	vld [tilespmem:s18+$0x90]  }
0x142: {  	v13 =	vld [tilespmem:s19+$0x0];
	v1 =	vmul.f32 $1.131370830e+01, v1;
	v3 =	vadd.f32 v5, v3;
	[tilespmem:s18+$0x80] =	vst v0  }
0x143: {  	v0 =	vld [tilespmem:s23+$0x90]  }
0x144: {  	v4 =	vmul.f32 $1.131370830e+01, v4;
	v1 =	vadd.f32 v6, v1;
	v5 =	vld [tilespmem:s18+$0xFFFFFF90];
	[tilespmem:s18+$0xFFFFFF00] =	vst v3  }
0x145: {  	v3 =	vld [tilespmem:s23+$0xFFFFFF10]  }
0x146: {  	v6 =	vld [tilespmem:s18+$0x10];
	[tilespmem:s18+$0xFFFFFF80] =	vst v1;
	v1 =	vadd.f32 v7, v4;
	v2 =	vmul.f32 $1.131370830e+01, v2  }
0x147: {  	v4 =	vld [tilespmem:s23+$0xFFFFFF90]  }
0x148: {  	[tilespmem:s18+$0x0] =	vst v1;
	v1 =	vld [tilespmem:s18+$0xA0];
	v0 =	vadd.f32 v0, v2;
	v2 =	vmul.f32 $1.131370830e+01, v8  }
0x149: {  	v8 =	vld [tilespmem:s23+$0x10]  }
0x14a: {  	v7 =	vld [tilespmem:s18+$0xFFFFFF20];
	v5 =	vmul.f32 $1.131370830e+01, v5;
	[tilespmem:s18+$0x90] =	vst v0;
	v2 =	vadd.f32 v3, v2  }
0x14b: {  	v0 =	vld [tilespmem:s23+$0xA0]  }
0x14c: {  	v4 =	vadd.f32 v4, v5;
	v5 =	vmul.f32 $1.131370830e+01, v6;
	v3 =	vld [tilespmem:s18+$0xFFFFFFA0];
	[tilespmem:s18+$0xFFFFFF10] =	vst v2  }
0x14d: {  	v2 =	vld [tilespmem:s23+$0xFFFFFF20]  }
0x14e: {  	v6 =	vld [tilespmem:s18+$0x20];
	v1 =	vmul.f32 $1.131370830e+01, v1;
	[tilespmem:s18+$0xFFFFFF90] =	vst v4;
	v4 =	vadd.f32 v8, v5  }
0x14f: {  	v5 =	vld [tilespmem:s23+$0xFFFFFFA0]  }
0x150: {  	[tilespmem:s18+$0x10] =	vst v4;
	v4 =	vld [tilespmem:s18+$0xB0];
	v0 =	vadd.f32 v0, v1;
	v1 =	vmul.f32 $1.131370830e+01, v7  }
0x151: {  	v7 =	vld [tilespmem:s23+$0x20]  }
0x152: {  	v8 =	vld [tilespmem:s18+$0xFFFFFF30];
	v3 =	vmul.f32 $1.131370830e+01, v3;
	[tilespmem:s18+$0xA0] =	vst v0;
	v1 =	vadd.f32 v2, v1  }
0x153: {  	v0 =	vld [tilespmem:s23+$0xB0]  }
0x154: {  	v2 =	vld [tilespmem:s18+$0xFFFFFFB0];
	v3 =	vadd.f32 v5, v3;
	v5 =	vmul.f32 $1.131370830e+01, v6;
	[tilespmem:s18+$0xFFFFFF20] =	vst v1  }
0x155: {  	v1 =	vmul.f32 $1.131370830e+01, v4;
	v4 =	vld [tilespmem:s23+$0xFFFFFF30]  }
0x156: {  	v6 =	vld [tilespmem:s18+$0x30];
	[tilespmem:s18+$0xFFFFFFA0] =	vst v3;
	v3 =	vadd.f32 v7, v5  }
0x157: {  	v5 =	vld [tilespmem:s23+$0xFFFFFFB0]  }
0x158: {  	[tilespmem:s18+$0x20] =	vst v3;
	v3 =	vld [tilespmem:s18+$0xC0];
	v0 =	vadd.f32 v0, v1;
	v1 =	vmul.f32 $1.131370830e+01, v8  }
0x159: {  	v8 =	vld [tilespmem:s23+$0x30]  }
0x15a: {  	v7 =	vld [tilespmem:s18+$0xFFFFFF40];
	v2 =	vmul.f32 $1.131370830e+01, v2;
	[tilespmem:s18+$0xB0] =	vst v0;
	v1 =	vadd.f32 v4, v1  }
0x15b: {  	v0 =	vld [tilespmem:s23+$0xC0]  }
0x15c: {  	v4 =	vld [tilespmem:s18+$0xFFFFFFC0];
	v2 =	vadd.f32 v5, v2;
	v5 =	vmul.f32 $1.131370830e+01, v6;
	[tilespmem:s18+$0xFFFFFF30] =	vst v1  }
0x15d: {  	v1 =	vmul.f32 $1.131370830e+01, v3;
	v3 =	vld [tilespmem:s23+$0xFFFFFF40]  }
0x15e: {  	v6 =	vld [tilespmem:s18+$0x40];
	[tilespmem:s18+$0xFFFFFFB0] =	vst v2;
	v2 =	vadd.f32 v8, v5  }
0x15f: {  	v5 =	vld [tilespmem:s23+$0xFFFFFFC0]  }
0x160: {  	[tilespmem:s18+$0x30] =	vst v2;
	v2 =	vld [tilespmem:s18+$0xD0];
	v0 =	vadd.f32 v0, v1;
	v1 =	vmul.f32 $1.131370830e+01, v7  }
0x161: {  	v8 =	vld [tilespmem:s18+$0xFFFFFF50]  }
0x162: {  	v7 =	vld [tilespmem:s23+$0x40];
	[tilespmem:s18+$0xC0] =	vst v0;
	v1 =	vadd.f32 v3, v1  }
0x163: {  	v4 =	vmul.f32 $1.131370830e+01, v4;
	v0 =	vld [tilespmem:s23+$0xD0]  }
0x164: {  	v14 =	vld [tilespmem:s20+$0xFFFFFF00];
	[tilespmem:s18+$0xFFFFFF40] =	vst v1  }
0x165: {  	v4 =	vadd.f32 v5, v4;
	v5 =	vmul.f32 $1.131370830e+01, v6;
	v1 =	vmul.f32 $1.131370830e+01, v2;
	v2 =	vld [tilespmem:s23+$0xFFFFFF50]  }
0x166: {  	v15 =	vld [tilespmem:s20+$0xFFFFFF80]  }
0x167: {  	v16 =	vld [tilespmem:s20+$0x0];
	[tilespmem:s18+$0xFFFFFFC0] =	vst v4;
	v4 =	vadd.f32 v7, v5  }
0x168: {  	v17 =	vld [tilespmem:s19+$0xFFFFFF10];
	v0 =	vadd.f32 v0, v1;
	v1 =	vmul.f32 $1.131370830e+01, v8  }
0x169: {  	[tilespmem:s18+$0x40] =	vst v4;
	v4 =	vld [tilespmem:s18+$0xE0]  }
0x16a: {  	v7 =	vld [tilespmem:s18+$0xFFFFFF60];
	[tilespmem:s18+$0xD0] =	vst v0;
	v1 =	vadd.f32 v2, v1  }
0x16b: {  	v0 =	vld [tilespmem:s23+$0xE0]  }
0x16c: {  	v26 =	vld [tilespmem:s19+$0xFFFFFF90];
	[tilespmem:s18+$0xFFFFFF50] =	vst v1  }
0x16d: {  	v9 =	vld [tilespmem:s23+$0xFFFFFF60]  }
0x16e: {  	v27 =	vld [tilespmem:s19+$0x10];
	v1 =	vmul.f32 $1.131370830e+01, v4  }
0x16f: {  	v28 =	vld [tilespmem:s19+$0xFFFFFF20]  }
0x170: {  	v29 =	vld [tilespmem:s19+$0xA0];
	v0 =	vadd.f32 v0, v1;
	v1 =	vmul.f32 $1.131370830e+01, v7  }
0x171: {  	v32 =	vld [tilespmem:s19+$0xFFFFFFA0]  }
0x172: {  	v36 =	vld [tilespmem:s19+$0xB0];
	v9 =	vadd.f32 v9, v1  }
0x173: {  	v39 =	vld [tilespmem:s19+$0xFFFFFFB0]  }
0x174: {  	[tilespmem:s18+$0xFFFFFF60] =	vst v9;
	v9 =	vld [tilespmem:s19+$0x80]  }
0x175: {  	v40 =	vld [tilespmem:s19+$0x30]  }
0x176: {  	v47 =	vld [tilespmem:s19+$0xFFFFFFC0]  }
0x177: {  	v48 =	vld [tilespmem:s19+$0x40]  }
0x178: {  	v49 =	vld [tilespmem:s19+$0xFFFFFF50]  }
0x179: {  	v51 =	vld [tilespmem:s19+$0xD0];
	v9 =	vmul.f32 $1.131370830e+01, v9  }
0x17a: {  	v54 =	vld [tilespmem:s19+$0x50]  }
0x17b: {  	v57 =	vld [tilespmem:s19+$0xE0];
	v9 =	vadd.f32 v11, v9  }
0x17c: {  	v12 =	vmul.f32 $1.131370830e+01, v12;
	v11 =	vld [tilespmem:s19+$0x90]  }
0x17d: {  	v59 =	vld [tilespmem:s19+$0xFFFFFFE0];
	v13 =	vmul.f32 $1.131370830e+01, v13;
	[tilespmem:s19+$0x80] =	vst v9  }
0x17e: {  	v12 =	vadd.f32 v14, v12;
	v9 =	vmul.f32 $1.131370830e+01, v10;
	v10 =	vld [tilespmem:s20+$0x90]  }
0x17f: {  	v60 =	vld [tilespmem:s19+$0x60];
	v13 =	vadd.f32 v16, v13  }
0x180: {  	v61 =	vld [tilespmem:s19+$0xFFFFFF70];
	[tilespmem:s19+$0xFFFFFF00] =	vst v12;
	v9 =	vadd.f32 v15, v9  }
0x181: {  	[tilespmem:s19+$0x0] =	vst v13;
	v12 =	vld [tilespmem:s20+$0xFFFFFF10];
	v11 =	vmul.f32 $1.131370830e+01, v11  }
0x182: {  	v30 =	vld [tilespmem:s20+$0x10];
	[tilespmem:s19+$0xFFFFFF80] =	vst v9  }
0x183: {  	v9 =	vld [tilespmem:s20+$0xFFFFFF90];
	v10 =	vadd.f32 v10, v11  }
0x184: {  	v3 =	vld [tilespmem:s18+$0xFFFFFFD0]  }
0x185: {  	v6 =	vld [tilespmem:s18+$0x50];
	v11 =	vmul.f32 $1.131370830e+01, v17;
	[tilespmem:s19+$0x90] =	vst v10  }
0x186: {  	v10 =	vmul.f32 $1.131370830e+01, v26;
	v31 =	vld [tilespmem:s20+$0xA0]  }
0x187: {  	v5 =	vld [tilespmem:s23+$0xFFFFFFD0];
	v11 =	vadd.f32 v12, v11  }
0x188: {  	v8 =	vld [tilespmem:s23+$0x50];
	v15 =	vmul.f32 $1.131370830e+01, v27;
	v9 =	vadd.f32 v9, v10  }
0x189: {  	v10 =	vld [tilespmem:s19+$0x20];
	[tilespmem:s19+$0xFFFFFF10] =	vst v11;
	v11 =	vmul.f32 $1.131370830e+01, v29  }
0x18a: {  	v15 =	vadd.f32 v30, v15;
	v33 =	vld [tilespmem:s20+$0xFFFFFF20];
	[tilespmem:s19+$0xFFFFFF90] =	vst v9  }
0x18b: {  	v34 =	vld [tilespmem:s20+$0xFFFFFFA0];
	v11 =	vadd.f32 v31, v11  }
0x18c: {  	v2 =	vld [tilespmem:s18+$0xFFFFFFE0];
	[tilespmem:s19+$0x10] =	vst v15  }
0x18d: {  	v35 =	vmul.f32 $1.131370830e+01, v28;
	v3 =	vmul.f32 $1.131370830e+01, v3;
	v37 =	vld [tilespmem:s20+$0x20];
	[tilespmem:s19+$0xA0] =	vst v11  }
0x18e: {  	v11 =	vmul.f32 $1.131370830e+01, v32;
	v38 =	vld [tilespmem:s20+$0xB0]  }
0x18f: {  	v5 =	vadd.f32 v5, v3;
	v3 =	vld [tilespmem:s18+$0x60];
	v13 =	vadd.f32 v33, v35  }
0x190: {  	v9 =	vld [tilespmem:s19+$0xFFFFFF30];
	v10 =	vmul.f32 $1.131370830e+01, v10;
	v11 =	vadd.f32 v34, v11  }
0x191: {  	v41 =	vmul.f32 $1.131370830e+01, v36;
	v4 =	vld [tilespmem:s18+$0xFFFFFF70];
	[tilespmem:s19+$0xFFFFFF20] =	vst v13  }
0x192: {  	v10 =	vadd.f32 v37, v10;
	v42 =	vld [tilespmem:s20+$0xFFFFFF30];
	[tilespmem:s19+$0xFFFFFFA0] =	vst v11  }
0x193: {  	v43 =	vld [tilespmem:s20+$0xFFFFFFB0];
	v12 =	vadd.f32 v38, v41  }
0x194: {  	[tilespmem:s19+$0x20] =	vst v10;
	v10 =	vld [tilespmem:s19+$0xC0]  }
0x195: {  	v6 =	vmul.f32 $1.131370830e+01, v6;
	v9 =	vmul.f32 $1.131370830e+01, v9;
	v44 =	vld [tilespmem:s20+$0x30];
	[tilespmem:s19+$0xB0] =	vst v12  }
0x196: {  	v45 =	vmul.f32 $1.131370830e+01, v39;
	[tilespmem:s18+$0xFFFFFFD0] =	vst v5;
	v46 =	vld [tilespmem:s20+$0xC0]  }
0x197: {  	v5 =	vadd.f32 v8, v6;
	v6 =	vld [tilespmem:s23+$0xFFFFFFE0];
	v9 =	vadd.f32 v42, v9  }
0x198: {  	v17 =	vmul.f32 $1.131370830e+01, v40;
	v11 =	vld [tilespmem:s19+$0xFFFFFF40];
	v12 =	vadd.f32 v43, v45  }
0x199: {  	v8 =	vld [tilespmem:s18+$0xF0];
	[tilespmem:s19+$0xFFFFFF30] =	vst v9;
	v9 =	vmul.f32 $1.131370830e+01, v10  }
0x19a: {  	v13 =	vadd.f32 v44, v17;
	v10 =	vld [tilespmem:s20+$0xFFFFFF40];
	[tilespmem:s19+$0xFFFFFFB0] =	vst v12  }
0x19b: {  	[tilespmem:s18+$0x50] =	vst v5;
	v50 =	vld [tilespmem:s20+$0xFFFFFFC0];
	v9 =	vadd.f32 v46, v9  }
0x19c: {  	v7 =	vld [tilespmem:s23+$0x60];
	[tilespmem:s19+$0x30] =	vst v13  }
0x19d: {  	v11 =	vmul.f32 $1.131370830e+01, v11;
	v52 =	vld [tilespmem:s20+$0x40];
	[tilespmem:s19+$0xC0] =	vst v9  }
0x19e: {  	v9 =	vmul.f32 $1.131370830e+01, v47;
	v53 =	vld [tilespmem:s20+$0xD0]  }
0x19f: {  	v1 =	vld [tilespmem:s18+$0xFFFFFFF0];
	v10 =	vadd.f32 v10, v11  }
0x1a0: {  	v16 =	vmul.f32 $1.131370830e+01, v48;
	[tilespmem:s18+$0xE0] =	vst v0;
	v0 =	vld [tilespmem:s18+$0x70];
	v9 =	vadd.f32 v50, v9  }
0x1a1: {  	v11 =	vld [tilespmem:s19+$0xFFFFFFD0];
	[tilespmem:s19+$0xFFFFFF40] =	vst v10;
	v10 =	vmul.f32 $1.131370830e+01, v51  }
0x1a2: {  	v14 =	vadd.f32 v52, v16;
	v55 =	vld [tilespmem:s20+$0xFFFFFF50];
	[tilespmem:s19+$0xFFFFFFC0] =	vst v9  }
0x1a3: {  	v56 =	vld [tilespmem:s20+$0xFFFFFFD0];
	v10 =	vadd.f32 v53, v10  }
0x1a4: {  	v2 =	vmul.f32 $1.131370830e+01, v2;
	v5 =	vld [tilespmem:s23+$0xF0];
	[tilespmem:s19+$0x40] =	vst v14  }
0x1a5: {  	v12 =	vmul.f32 $1.131370830e+01, v49;
	v58 =	vld [tilespmem:s20+$0x50];
	[tilespmem:s19+$0xD0] =	vst v10  }
0x1a6: {  	v2 =	vadd.f32 v6, v2;
	v10 =	vmul.f32 $1.131370830e+01, v11;
	v11 =	vld [tilespmem:s20+$0xE0]  }
0x1a7: {  	v6 =	vld [tilespmem:s23+$0xFFFFFF70];
	v12 =	vadd.f32 v55, v12  }
0x1a8: {  	[tilespmem:s18+$0xFFFFFFE0] =	vst v2;
	v17 =	vmul.f32 $1.131370830e+01, v54;
	v9 =	vld [tilespmem:s19+$0xFFFFFF60];
	v10 =	vadd.f32 v56, v10  }
0x1a9: {  	v2 =	vld [tilespmem:s23+$0xFFFFFFF0];
	v14 =	vmul.f32 $1.131370830e+01, v57;
	[tilespmem:s19+$0xFFFFFF50] =	vst v12  }
0x1aa: {  	v3 =	vmul.f32 $1.131370830e+01, v3;
	v62 =	vld [tilespmem:s20+$0xFFFFFF60];
	[tilespmem:s19+$0xFFFFFFD0] =	vst v10;
	v10 =	vadd.f32 v58, v17  }
0x1ab: {  	v8 =	vmul.f32 $1.131370830e+01, v8;
	v63 =	vld [tilespmem:s20+$0xFFFFFFE0];
	v11 =	vadd.f32 v11, v14  }
0x1ac: {  	v4 =	vmul.f32 $1.131370830e+01, v4;
	v3 =	vadd.f32 v7, v3;
	v7 =	vld [tilespmem:s19+$0xF0];
	[tilespmem:s19+$0x50] =	vst v10  }
0x1ad: {  	v5 =	vadd.f32 v5, v8;
	v8 =	vmul.f32 $1.131370830e+01, v9;
	v9 =	vld [tilespmem:s20+$0x60];
	[tilespmem:s19+$0xE0] =	vst v11  }
0x1ae: {  	[tilespmem:s18+$0x60] =	vst v3;
	v3 =	vadd.f32 v6, v4;
	v6 =	vmul.f32 $1.131370830e+01, v59;
	v10 =	vld [tilespmem:s20+$0xF0]  }
0x1af: {  	v1 =	vmul.f32 $1.131370830e+01, v1;
	[tilespmem:s18+$0xF0] =	vst v5;
	v4 =	vld [tilespmem:s19+$0xFFFFFFF0];
	v5 =	vadd.f32 v62, v8  }
0x1b0: {  	[tilespmem:s18+$0xFFFFFF70] =	vst v3;
	v3 =	vld [tilespmem:s19+$0x70];
	v8 =	vmul.f32 $1.131370830e+01, v60;
	v6 =	vadd.f32 v63, v6  }
0x1b1: {  	v1 =	vadd.f32 v2, v1;
	v7 =	vmul.f32 $1.131370830e+01, v7;
	v2 =	vld [tilespmem:s23+$0x70];
	[tilespmem:s19+$0xFFFFFF60] =	vst v5  }
0x1b2: {  	v5 =	vld [tilespmem:s20+$0xFFFFFF70];
	[tilespmem:s19+$0xFFFFFFE0] =	vst v6;
	v8 =	vadd.f32 v9, v8  }
0x1b3: {  	s21 =	simm.s32 $0x4;
	s22 =	simm.s32 $0x13500;
	v0 =	vmul.f32 $1.131370830e+01, v0;
	s23 =	simm.s32 $0x6F00;
	[tilespmem:s18+$0xFFFFFFF0] =	vst v1;
	v1 =	vmul.f32 $1.131370830e+01, v61;
	v6 =	vld [tilespmem:s20+$0xFFFFFFF0];
	v7 =	vadd.f32 v10, v7  }
.LBB2_5:
0x1b4: {  	v9 =	vld [tilespmem:s23+$0x80];
	s21 =	sadd.s32 $0x4, s21;
	v4 =	vmul.f32 $1.131370830e+01, v4;
	[tilespmem:s19+$0x60] =	vst v8  }
0x1b5: {  	s20 =	sadd.s32 $0x200, s20;
	v8 =	vld [tilespmem:s23+$0xFFFFFF80];
	p1 =	slt.u32 s21, $0xC4;
	v3 =	vmul.f32 $1.131370830e+01, v3;
	[tilespmem:s19+$0xF0] =	vst v7  }
0x1b6: {  	v7 =	vld [tilespmem:s20+$0x80];
	v2 =	vadd.f32 v2, v0  }
0x1b7: {  	v10 =	vld [tilespmem:s23+$0x0];
	v1 =	vadd.f32 v5, v1;
	v0 =	vmov v3  }
0x1b8: {  	v3 =	vld [tilespmem:s23+$0xFFFFFF00];
	v4 =	vadd.f32 v6, v4;
	[tilespmem:s18+$0x70] =	vst v2;
	s18 =	smov.u32 s19;
	s19 =	smov.u32 s23  }
0x1b9: {  	v2 =	vld [tilespmem:s20+$0xFFFFFF00];
	v5 =	vmul.f32 $1.131370830e+01, v9;
	[tilespmem:s18+$0xFFFFFF70] =	vst v1  }
0x1ba: {  	v1 =	vmul.f32 $1.131370830e+01, v8;
	v6 =	vld [tilespmem:s20+$0xFFFFFF80];
	[tilespmem:s18+$0xFFFFFFF0] =	vst v4  }
0x1bb: {  	v4 =	vld [tilespmem:s20+$0x0];
	v5 =	vadd.f32 v7, v5  }
0x1bc: {  	v7 =	vmul.f32 $1.131370830e+01, v10;
	v8 =	vld [tilespmem:s23+$0x90]  }
0x1bd: {  	v3 =	vmul.f32 $1.131370830e+01, v3;
	v9 =	vld [tilespmem:s23+$0xFFFFFF10];
	[tilespmem:s23+$0x80] =	vst v5  }
0x1be: {  	v5 =	vld [tilespmem:s20+$0x90]  }
0x1bf: {  	v2 =	vadd.f32 v2, v3;
	v1 =	vadd.f32 v6, v1;
	v3 =	vld [tilespmem:s23+$0xFFFFFF90]  }
0x1c0: {  	v4 =	vadd.f32 v4, v7;
	v6 =	vld [tilespmem:s23+$0x10]  }
0x1c1: {  	[tilespmem:s23+$0xFFFFFF00] =	vst v2;
	v2 =	vld [tilespmem:s23+$0xFFFFFF20];
	v7 =	vmul.f32 $1.131370830e+01, v8  }
0x1c2: {  	v8 =	vmul.f32 $1.131370830e+01, v9;
	v9 =	vld [tilespmem:s20+$0xFFFFFF10];
	[tilespmem:s23+$0xFFFFFF80] =	vst v1  }
0x1c3: {  	v1 =	vld [tilespmem:s20+$0xFFFFFF90];
	[tilespmem:s23+$0x0] =	vst v4;
	v4 =	vadd.f32 v5, v7  }
0x1c4: {  	v3 =	vmul.f32 $1.131370830e+01, v3;
	v5 =	vld [tilespmem:s23+$0xA0]  }
0x1c5: {  	v6 =	vmul.f32 $1.131370830e+01, v6;
	v7 =	vld [tilespmem:s20+$0x10];
	[tilespmem:s23+$0x90] =	vst v4  }
0x1c6: {  	v2 =	vmul.f32 $1.131370830e+01, v2;
	v4 =	vld [tilespmem:s20+$0xA0]  }
0x1c7: {  	v8 =	vadd.f32 v9, v8;
	v9 =	vld [tilespmem:s23+$0xFFFFFFA0]  }
0x1c8: {  	v1 =	vadd.f32 v1, v3;
	v3 =	vld [tilespmem:s23+$0x20]  }
0x1c9: {  	[tilespmem:s23+$0xFFFFFF10] =	vst v8;
	v8 =	vld [tilespmem:s23+$0xFFFFFF30];
	v5 =	vmul.f32 $1.131370830e+01, v5  }
0x1ca: {  	v10 =	vld [tilespmem:s20+$0xFFFFFF20];
	[tilespmem:s23+$0xFFFFFF90] =	vst v1;
	v1 =	vadd.f32 v7, v6  }
0x1cb: {  	v6 =	vld [tilespmem:s20+$0xFFFFFFA0];
	v4 =	vadd.f32 v4, v5  }
0x1cc: {  	v5 =	vmul.f32 $1.131370830e+01, v9;
	[tilespmem:s23+$0x10] =	vst v1;
	v1 =	vld [tilespmem:s23+$0xB0]  }
0x1cd: {  	v3 =	vmul.f32 $1.131370830e+01, v3;
	v7 =	vld [tilespmem:s20+$0x20];
	[tilespmem:s23+$0xA0] =	vst v4  }
0x1ce: {  	v4 =	vmul.f32 $1.131370830e+01, v8;
	v8 =	vld [tilespmem:s20+$0xB0]  }
0x1cf: {  	v2 =	vadd.f32 v10, v2;
	v9 =	vld [tilespmem:s23+$0xFFFFFFB0]  }
0x1d0: {  	v5 =	vadd.f32 v6, v5;
	v6 =	vld [tilespmem:s23+$0x30]  }
0x1d1: {  	[tilespmem:s23+$0xFFFFFF20] =	vst v2;
	v2 =	vld [tilespmem:s23+$0xFFFFFF40];
	v1 =	vmul.f32 $1.131370830e+01, v1  }
0x1d2: {  	v10 =	vld [tilespmem:s20+$0xFFFFFF30];
	[tilespmem:s23+$0xFFFFFFA0] =	vst v5;
	v3 =	vadd.f32 v7, v3  }
0x1d3: {  	v5 =	vld [tilespmem:s20+$0xFFFFFFB0];
	v1 =	vadd.f32 v8, v1  }
0x1d4: {  	v7 =	vmul.f32 $1.131370830e+01, v9;
	[tilespmem:s23+$0x20] =	vst v3;
	v3 =	vld [tilespmem:s23+$0xC0]  }
0x1d5: {  	v6 =	vmul.f32 $1.131370830e+01, v6;
	v8 =	vld [tilespmem:s20+$0x30];
	[tilespmem:s23+$0xB0] =	vst v1  }
0x1d6: {  	v1 =	vmul.f32 $1.131370830e+01, v2;
	v2 =	vld [tilespmem:s20+$0xC0]  }
0x1d7: {  	v4 =	vadd.f32 v10, v4;
	v9 =	vld [tilespmem:s23+$0xFFFFFFC0]  }
0x1d8: {  	v5 =	vadd.f32 v5, v7;
	v7 =	vld [tilespmem:s23+$0x40]  }
0x1d9: {  	[tilespmem:s23+$0xFFFFFF30] =	vst v4;
	v4 =	vld [tilespmem:s23+$0xFFFFFF50];
	v3 =	vmul.f32 $1.131370830e+01, v3  }
0x1da: {  	v10 =	vld [tilespmem:s20+$0xFFFFFF40];
	[tilespmem:s23+$0xFFFFFFB0] =	vst v5;
	v5 =	vadd.f32 v8, v6  }
0x1db: {  	v6 =	vld [tilespmem:s20+$0xFFFFFFC0];
	v2 =	vadd.f32 v2, v3  }
0x1dc: {  	v3 =	vmul.f32 $1.131370830e+01, v9;
	[tilespmem:s23+$0x30] =	vst v5;
	v5 =	vld [tilespmem:s23+$0xD0]  }
0x1dd: {  	v7 =	vmul.f32 $1.131370830e+01, v7;
	v8 =	vld [tilespmem:s20+$0x40];
	[tilespmem:s23+$0xC0] =	vst v2  }
0x1de: {  	v2 =	vmul.f32 $1.131370830e+01, v4;
	v4 =	vld [tilespmem:s20+$0xD0]  }
0x1df: {  	v1 =	vadd.f32 v10, v1;
	v9 =	vld [tilespmem:s23+$0xFFFFFFD0]  }
0x1e0: {  	v3 =	vadd.f32 v6, v3;
	v6 =	vld [tilespmem:s23+$0x50]  }
0x1e1: {  	[tilespmem:s23+$0xFFFFFF40] =	vst v1;
	v1 =	vld [tilespmem:s23+$0xFFFFFF60];
	v5 =	vmul.f32 $1.131370830e+01, v5  }
0x1e2: {  	v10 =	vld [tilespmem:s20+$0xFFFFFF50];
	[tilespmem:s23+$0xFFFFFFC0] =	vst v3;
	v3 =	vadd.f32 v8, v7  }
0x1e3: {  	v7 =	vld [tilespmem:s20+$0xFFFFFFD0];
	v4 =	vadd.f32 v4, v5  }
0x1e4: {  	v5 =	vmul.f32 $1.131370830e+01, v9;
	[tilespmem:s23+$0x40] =	vst v3;
	v3 =	vld [tilespmem:s23+$0xE0]  }
0x1e5: {  	v6 =	vmul.f32 $1.131370830e+01, v6;
	v8 =	vld [tilespmem:s20+$0x50];
	[tilespmem:s23+$0xD0] =	vst v4  }
0x1e6: {  	v4 =	vmul.f32 $1.131370830e+01, v1;
	v1 =	vld [tilespmem:s20+$0xE0]  }
0x1e7: {  	v2 =	vadd.f32 v10, v2;
	v9 =	vld [tilespmem:s23+$0xFFFFFFE0]  }
0x1e8: {  	v5 =	vadd.f32 v7, v5;
	v7 =	vld [tilespmem:s23+$0x60]  }
0x1e9: {  	[tilespmem:s23+$0xFFFFFF50] =	vst v2;
	v2 =	vld [tilespmem:s23+$0xFFFFFF70];
	v3 =	vmul.f32 $1.131370830e+01, v3  }
0x1ea: {  	v10 =	vld [tilespmem:s20+$0xFFFFFF60];
	[tilespmem:s23+$0xFFFFFFD0] =	vst v5;
	v5 =	vadd.f32 v8, v6  }
0x1eb: {  	v6 =	vld [tilespmem:s20+$0xFFFFFFE0];
	v1 =	vadd.f32 v1, v3  }
0x1ec: {  	v3 =	vmul.f32 $1.131370830e+01, v9;
	[tilespmem:s23+$0x50] =	vst v5;
	v5 =	vld [tilespmem:s23+$0xF0]  }
0x1ed: {  	v7 =	vmul.f32 $1.131370830e+01, v7;
	v8 =	vld [tilespmem:s20+$0x60];
	[tilespmem:s23+$0xE0] =	vst v1  }
0x1ee: {  	v1 =	vmul.f32 $1.131370830e+01, v2;
	v9 =	vld [tilespmem:s20+$0xF0]  }
.Ltmp3:
0x1ef: {  	v2 =	vadd.f32 v10, v4;
	v4 =	vld [tilespmem:s23+$0xFFFFFFF0];
	(pc) =	sbr.rel @p1 .LBB2_5-.Ltmp3, $4  }
0x1f0: {  	v6 =	vadd.f32 v6, v3;
	v3 =	vld [tilespmem:s23+$0x70]  }
0x1f1: {  	[tilespmem:s23+$0xFFFFFF60] =	vst v2;
	v10 =	vmul.f32 $1.131370830e+01, v5;
	v2 =	vld [tilespmem:s22+$0x70];
	s22 =	smov.u32 s20  }
0x1f2: {  	v5 =	vld [tilespmem:s20+$0xFFFFFF70];
	[tilespmem:s23+$0xFFFFFFE0] =	vst v6;
	v8 =	vadd.f32 v8, v7  }
0x1f3: {  	s23 =	sadd.s32 $0x200, s23;
	v6 =	vld [tilespmem:s20+$0xFFFFFFF0];
	v7 =	vadd.f32 v9, v10  }
0x1f4: {  	[tilespmem:s19+$0x60] =	vst v8  }
0x1f5: {  	v8 =	vld [tilespmem:s22+$0x70];
	_ =	sdelay $0x1  }
0x1f6: {  	v4 =	vmul.f32 $1.131370830e+01, v4;
	v0 =	vadd.f32 v2, v0  }
0x1f7: {  	v61 =	vmul.f32 $1.131370830e+01, v3;
	[tilespmem:s19+$0xF0] =	vst v7;
	v1 =	vadd.f32 v5, v1  }
.Ltmp4:
0x1f8: {  	s13 =	sadd.s32 s5, s13;
	v62 =	vadd.f32 v6, v4;
	[tilespmem:s18+$0x70] =	vst v0;
	(pc) =	sbr.rel @p0 .LBB2_10-.Ltmp4, $4  }
0x1f9: {  	s13 =	smul.u32 $0xC80, s13;
	[tilespmem:s19+$0xFFFFFF70] =	vst v1;
	v63 =	vadd.f32 v8, v61  }
0x1fa: {  	[tilespmem:s19+$0xFFFFFFF0] =	vst v62  }
0x1fb: {  	s13 =	sadd.s32 s3, s13;
	[tilespmem:s19+$0x70] =	vst v63  }
0x1fc: {  	[hbm4b:s13+s4] =	stream.linear.scatter [tilespmem:s25], [sflag:$0x8], $0x6400, $0x38;
	[tilespmem:$0x19600] =	vst v63  }
0x1fd: {  	_ =	swait.ge [sflag:s15], $0x200  }
0x1fe: {  	[sflag:s15] =	ssyncset.done $0x0  }
0x1ff: {  	[sflag:s15] =	ssyncadd.s32 $0xFFFFFE00  }
0x200: {  	_ =	swait.ge [sflag:s7], $0x6400  }
0x201: {  	[sflag:s7] =	ssyncset.done $0x0  }
0x202: {  	[sflag:s7] =	ssyncadd.s32 $0xFFFF9C00  }
0x203: {  	[tilespmem:s17], [sflag:$0x4] =	stream.indirect.gather [hbm4b:s2+s16], $0x80, s4, s16, $0xb8;
	[tilespmem:$0x19600] =	vst v63  }
0x204: {  	s13 =	simm.s32 $0x80;
	s18 =	simm.s32 $0x1F00  }
0x205: {  	[tilespmem:s18], [sflag:$0x4] =	stream.indirect.gather [hbm4b:s2+s16], $0x80, s13, s16, $0xb8;
	[tilespmem:$0x19600] =	vst v63  }
0x206: {  	s19 =	simm.s32 $0x100;
	s20 =	simm.s32 $0x3800;
	s6 =	sadd.s32 s6, s10  }
0x207: {  	[tilespmem:s20], [sflag:$0x4] =	stream.indirect.gather [hbm4b:s2+s16], $0x80, s19, s16, $0xb8;
	[tilespmem:$0x19600] =	vst v63  }
0x208: {  	s21 =	simm.s32 $0x180;
	s22 =	simm.s32 $0x5100;
	s23 =	sshll.u32 s6, $0x6  }
0x209: {  	[tilespmem:s22], [sflag:$0x4] =	stream.indirect.gather [hbm4b:s2+s16], $0x80, s21, s16, $0xb8;
	[tilespmem:$0x19600] =	vst v63  }
0x20a: {  	s13 =	sadd.s32 s23, s9  }
0x20b: {  	[tilespmem:s14], [sflag:$0x2] =	stream.linear.gather [hbm4b:s13+s4], $0x200, $0x38;
	[tilespmem:$0x19600] =	vst v63  }
0x20c: {  	_ =	swait.ge [sflag:s11], $0x1900  }
0x20d: {  	[sflag:s11] =	ssyncset.done $0x0  }
0x20e: {  	[sflag:s11] =	ssyncadd.s32 $0xFFFFE700  }
0x20f: {  	_ =	swait.ge [sflag:s11], $0x1900  }
0x210: {  	[sflag:s11] =	ssyncset.done $0x0  }
0x211: {  	[sflag:s11] =	ssyncadd.s32 $0xFFFFE700  }
0x212: {  	_ =	swait.ge [sflag:s11], $0x1900  }
0x213: {  	[sflag:s11] =	ssyncset.done $0x0  }
0x214: {  	[sflag:s11] =	ssyncadd.s32 $0xFFFFE700  }
0x215: {  	_ =	swait.ge [sflag:s11], $0x1900  }
0x216: {  	[sflag:s11] =	ssyncset.done $0x0  }
0x217: {  	s13 =	simm.s32 $0xCF00;
	[sflag:s11] =	ssyncadd.s32 $0xFFFFE700  }
0x218: {  	v0 =	vld [tilespmem:s13+$0x80]  }
0x219: {  	s20 =	simm.s32 $0x13300;
	v1 =	vld [tilespmem:s13+$0xFFFFFF80]  }
0x21a: {  	v2 =	vld [tilespmem:s20+$0x80]  }
0x21b: {  	v3 =	vld [tilespmem:s13+$0xFFFFFF00]  }
0x21c: {  	v4 =	vld [tilespmem:s13+$0x0]  }
0x21d: {  	v5 =	vld [tilespmem:s20+$0xFFFFFF00]  }
0x21e: {  	v6 =	vld [tilespmem:s20+$0xFFFFFF80]  }
0x21f: {  	v7 =	vld [tilespmem:s20+$0x0]  }
0x220: {  	s18 =	simm.s32 $0xD100;
	v8 =	vld [tilespmem:s13+$0xFFFFFF10]  }
0x221: {  	s19 =	simm.s32 $0x13500;
	v10 =	vld [tilespmem:s18+$0xFFFFFF80];
	v0 =	vmul.f32 $1.131370830e+01, v0  }
0x222: {  	v11 =	vld [tilespmem:s19+$0x80]  }
0x223: {  	v12 =	vld [tilespmem:s18+$0xFFFFFF00];
	v3 =	vmul.f32 $1.131370830e+01, v3;
	v0 =	vadd.f32 v2, v0  }
0x224: {  	v2 =	vld [tilespmem:s13+$0x90]  }
0x225: {  	v13 =	vld [tilespmem:s18+$0x0];
	v1 =	vmul.f32 $1.131370830e+01, v1;
	v3 =	vadd.f32 v5, v3;
	[tilespmem:s13+$0x80] =	vst v0  }
0x226: {  	v0 =	vld [tilespmem:s20+$0x90]  }
0x227: {  	v4 =	vmul.f32 $1.131370830e+01, v4;
	v1 =	vadd.f32 v6, v1;
	v5 =	vld [tilespmem:s13+$0xFFFFFF90];
	[tilespmem:s13+$0xFFFFFF00] =	vst v3  }
0x228: {  	v3 =	vld [tilespmem:s20+$0xFFFFFF10]  }
0x229: {  	v6 =	vld [tilespmem:s13+$0x10];
	[tilespmem:s13+$0xFFFFFF80] =	vst v1;
	v1 =	vadd.f32 v7, v4;
	v2 =	vmul.f32 $1.131370830e+01, v2  }
0x22a: {  	v4 =	vld [tilespmem:s20+$0xFFFFFF90]  }
0x22b: {  	[tilespmem:s13+$0x0] =	vst v1;
	v1 =	vld [tilespmem:s13+$0xA0];
	v0 =	vadd.f32 v0, v2;
	v2 =	vmul.f32 $1.131370830e+01, v8  }
0x22c: {  	v8 =	vld [tilespmem:s20+$0x10]  }
0x22d: {  	v7 =	vld [tilespmem:s13+$0xFFFFFF20];
	v5 =	vmul.f32 $1.131370830e+01, v5;
	[tilespmem:s13+$0x90] =	vst v0;
	v2 =	vadd.f32 v3, v2  }
0x22e: {  	v0 =	vld [tilespmem:s20+$0xA0]  }
0x22f: {  	v4 =	vadd.f32 v4, v5;
	v5 =	vmul.f32 $1.131370830e+01, v6;
	v3 =	vld [tilespmem:s13+$0xFFFFFFA0];
	[tilespmem:s13+$0xFFFFFF10] =	vst v2  }
0x230: {  	v2 =	vld [tilespmem:s20+$0xFFFFFF20]  }
0x231: {  	v6 =	vld [tilespmem:s13+$0x20];
	v1 =	vmul.f32 $1.131370830e+01, v1;
	[tilespmem:s13+$0xFFFFFF90] =	vst v4;
	v4 =	vadd.f32 v8, v5  }
0x232: {  	v5 =	vld [tilespmem:s20+$0xFFFFFFA0]  }
0x233: {  	[tilespmem:s13+$0x10] =	vst v4;
	v4 =	vld [tilespmem:s13+$0xB0];
	v0 =	vadd.f32 v0, v1;
	v1 =	vmul.f32 $1.131370830e+01, v7  }
0x234: {  	v7 =	vld [tilespmem:s20+$0x20]  }
0x235: {  	v8 =	vld [tilespmem:s13+$0xFFFFFF30];
	v3 =	vmul.f32 $1.131370830e+01, v3;
	[tilespmem:s13+$0xA0] =	vst v0;
	v1 =	vadd.f32 v2, v1  }
0x236: {  	v0 =	vld [tilespmem:s20+$0xB0]  }
0x237: {  	v2 =	vld [tilespmem:s13+$0xFFFFFFB0];
	v3 =	vadd.f32 v5, v3;
	v5 =	vmul.f32 $1.131370830e+01, v6;
	[tilespmem:s13+$0xFFFFFF20] =	vst v1  }
0x238: {  	v1 =	vmul.f32 $1.131370830e+01, v4;
	v4 =	vld [tilespmem:s20+$0xFFFFFF30]  }
0x239: {  	v6 =	vld [tilespmem:s13+$0x30];
	[tilespmem:s13+$0xFFFFFFA0] =	vst v3;
	v3 =	vadd.f32 v7, v5  }
0x23a: {  	v5 =	vld [tilespmem:s20+$0xFFFFFFB0]  }
0x23b: {  	[tilespmem:s13+$0x20] =	vst v3;
	v3 =	vld [tilespmem:s13+$0xC0];
	v0 =	vadd.f32 v0, v1;
	v1 =	vmul.f32 $1.131370830e+01, v8  }
0x23c: {  	v8 =	vld [tilespmem:s20+$0x30]  }
0x23d: {  	v7 =	vld [tilespmem:s13+$0xFFFFFF40];
	v2 =	vmul.f32 $1.131370830e+01, v2;
	[tilespmem:s13+$0xB0] =	vst v0;
	v1 =	vadd.f32 v4, v1  }
0x23e: {  	v0 =	vld [tilespmem:s20+$0xC0]  }
0x23f: {  	v4 =	vld [tilespmem:s13+$0xFFFFFFC0];
	v2 =	vadd.f32 v5, v2;
	v5 =	vmul.f32 $1.131370830e+01, v6;
	[tilespmem:s13+$0xFFFFFF30] =	vst v1  }
0x240: {  	v1 =	vmul.f32 $1.131370830e+01, v3;
	v3 =	vld [tilespmem:s20+$0xFFFFFF40]  }
0x241: {  	v6 =	vld [tilespmem:s13+$0x40];
	[tilespmem:s13+$0xFFFFFFB0] =	vst v2;
	v2 =	vadd.f32 v8, v5  }
0x242: {  	v5 =	vld [tilespmem:s20+$0xFFFFFFC0]  }
0x243: {  	[tilespmem:s13+$0x30] =	vst v2;
	v2 =	vld [tilespmem:s13+$0xD0];
	v0 =	vadd.f32 v0, v1;
	v1 =	vmul.f32 $1.131370830e+01, v7  }
0x244: {  	v8 =	vld [tilespmem:s13+$0xFFFFFF50]  }
0x245: {  	v7 =	vld [tilespmem:s20+$0x40];
	[tilespmem:s13+$0xC0] =	vst v0;
	v1 =	vadd.f32 v3, v1  }
0x246: {  	v4 =	vmul.f32 $1.131370830e+01, v4;
	v0 =	vld [tilespmem:s20+$0xD0]  }
0x247: {  	v14 =	vld [tilespmem:s19+$0xFFFFFF00];
	[tilespmem:s13+$0xFFFFFF40] =	vst v1  }
0x248: {  	v4 =	vadd.f32 v5, v4;
	v5 =	vmul.f32 $1.131370830e+01, v6;
	v1 =	vmul.f32 $1.131370830e+01, v2;
	v2 =	vld [tilespmem:s20+$0xFFFFFF50]  }
0x249: {  	v15 =	vld [tilespmem:s19+$0xFFFFFF80]  }
0x24a: {  	v16 =	vld [tilespmem:s19+$0x0];
	[tilespmem:s13+$0xFFFFFFC0] =	vst v4;
	v4 =	vadd.f32 v7, v5  }
0x24b: {  	v17 =	vld [tilespmem:s18+$0xFFFFFF10];
	v0 =	vadd.f32 v0, v1;
	v1 =	vmul.f32 $1.131370830e+01, v8  }
0x24c: {  	[tilespmem:s13+$0x40] =	vst v4;
	v4 =	vld [tilespmem:s13+$0xE0]  }
0x24d: {  	v7 =	vld [tilespmem:s13+$0xFFFFFF60];
	[tilespmem:s13+$0xD0] =	vst v0;
	v1 =	vadd.f32 v2, v1  }
0x24e: {  	v0 =	vld [tilespmem:s20+$0xE0]  }
0x24f: {  	v26 =	vld [tilespmem:s18+$0xFFFFFF90];
	[tilespmem:s13+$0xFFFFFF50] =	vst v1  }
0x250: {  	v9 =	vld [tilespmem:s20+$0xFFFFFF60]  }
0x251: {  	v27 =	vld [tilespmem:s18+$0x10];
	v1 =	vmul.f32 $1.131370830e+01, v4  }
0x252: {  	v28 =	vld [tilespmem:s18+$0xFFFFFF20]  }
0x253: {  	v29 =	vld [tilespmem:s18+$0xA0];
	v0 =	vadd.f32 v0, v1;
	v1 =	vmul.f32 $1.131370830e+01, v7  }
0x254: {  	v32 =	vld [tilespmem:s18+$0xFFFFFFA0]  }
0x255: {  	v36 =	vld [tilespmem:s18+$0xB0];
	v9 =	vadd.f32 v9, v1  }
0x256: {  	v39 =	vld [tilespmem:s18+$0xFFFFFFB0]  }
0x257: {  	[tilespmem:s13+$0xFFFFFF60] =	vst v9;
	v9 =	vld [tilespmem:s18+$0x80]  }
0x258: {  	v40 =	vld [tilespmem:s18+$0x30]  }
0x259: {  	v47 =	vld [tilespmem:s18+$0xFFFFFFC0]  }
0x25a: {  	v48 =	vld [tilespmem:s18+$0x40]  }
0x25b: {  	v49 =	vld [tilespmem:s18+$0xFFFFFF50]  }
0x25c: {  	v51 =	vld [tilespmem:s18+$0xD0];
	v9 =	vmul.f32 $1.131370830e+01, v9  }
0x25d: {  	v54 =	vld [tilespmem:s18+$0x50]  }
0x25e: {  	v57 =	vld [tilespmem:s18+$0xE0];
	v9 =	vadd.f32 v11, v9  }
0x25f: {  	v12 =	vmul.f32 $1.131370830e+01, v12;
	v11 =	vld [tilespmem:s18+$0x90]  }
0x260: {  	v59 =	vld [tilespmem:s18+$0xFFFFFFE0];
	v13 =	vmul.f32 $1.131370830e+01, v13;
	[tilespmem:s18+$0x80] =	vst v9  }
0x261: {  	v12 =	vadd.f32 v14, v12;
	v9 =	vmul.f32 $1.131370830e+01, v10;
	v10 =	vld [tilespmem:s19+$0x90]  }
0x262: {  	v60 =	vld [tilespmem:s18+$0x60];
	v13 =	vadd.f32 v16, v13  }
0x263: {  	v61 =	vld [tilespmem:s18+$0xFFFFFF70];
	[tilespmem:s18+$0xFFFFFF00] =	vst v12;
	v9 =	vadd.f32 v15, v9  }
0x264: {  	[tilespmem:s18+$0x0] =	vst v13;
	v12 =	vld [tilespmem:s19+$0xFFFFFF10];
	v11 =	vmul.f32 $1.131370830e+01, v11  }
0x265: {  	v30 =	vld [tilespmem:s19+$0x10];
	[tilespmem:s18+$0xFFFFFF80] =	vst v9  }
0x266: {  	v9 =	vld [tilespmem:s19+$0xFFFFFF90];
	v10 =	vadd.f32 v10, v11  }
0x267: {  	v3 =	vld [tilespmem:s13+$0xFFFFFFD0]  }
0x268: {  	v6 =	vld [tilespmem:s13+$0x50];
	v11 =	vmul.f32 $1.131370830e+01, v17;
	[tilespmem:s18+$0x90] =	vst v10  }
0x269: {  	v10 =	vmul.f32 $1.131370830e+01, v26;
	v31 =	vld [tilespmem:s19+$0xA0]  }
0x26a: {  	v5 =	vld [tilespmem:s20+$0xFFFFFFD0];
	v11 =	vadd.f32 v12, v11  }
0x26b: {  	v8 =	vld [tilespmem:s20+$0x50];
	v15 =	vmul.f32 $1.131370830e+01, v27;
	v9 =	vadd.f32 v9, v10  }
0x26c: {  	v10 =	vld [tilespmem:s18+$0x20];
	[tilespmem:s18+$0xFFFFFF10] =	vst v11;
	v11 =	vmul.f32 $1.131370830e+01, v29  }
0x26d: {  	v15 =	vadd.f32 v30, v15;
	v33 =	vld [tilespmem:s19+$0xFFFFFF20];
	[tilespmem:s18+$0xFFFFFF90] =	vst v9  }
0x26e: {  	v34 =	vld [tilespmem:s19+$0xFFFFFFA0];
	v11 =	vadd.f32 v31, v11  }
0x26f: {  	v2 =	vld [tilespmem:s13+$0xFFFFFFE0];
	[tilespmem:s18+$0x10] =	vst v15  }
0x270: {  	v35 =	vmul.f32 $1.131370830e+01, v28;
	v3 =	vmul.f32 $1.131370830e+01, v3;
	v37 =	vld [tilespmem:s19+$0x20];
	[tilespmem:s18+$0xA0] =	vst v11  }
0x271: {  	v11 =	vmul.f32 $1.131370830e+01, v32;
	v38 =	vld [tilespmem:s19+$0xB0]  }
0x272: {  	v5 =	vadd.f32 v5, v3;
	v3 =	vld [tilespmem:s13+$0x60];
	v13 =	vadd.f32 v33, v35  }
0x273: {  	v9 =	vld [tilespmem:s18+$0xFFFFFF30];
	v10 =	vmul.f32 $1.131370830e+01, v10;
	v11 =	vadd.f32 v34, v11  }
0x274: {  	v41 =	vmul.f32 $1.131370830e+01, v36;
	v4 =	vld [tilespmem:s13+$0xFFFFFF70];
	[tilespmem:s18+$0xFFFFFF20] =	vst v13  }
0x275: {  	v10 =	vadd.f32 v37, v10;
	v42 =	vld [tilespmem:s19+$0xFFFFFF30];
	[tilespmem:s18+$0xFFFFFFA0] =	vst v11  }
0x276: {  	v43 =	vld [tilespmem:s19+$0xFFFFFFB0];
	v12 =	vadd.f32 v38, v41  }
0x277: {  	[tilespmem:s18+$0x20] =	vst v10;
	v10 =	vld [tilespmem:s18+$0xC0]  }
0x278: {  	v6 =	vmul.f32 $1.131370830e+01, v6;
	v9 =	vmul.f32 $1.131370830e+01, v9;
	v44 =	vld [tilespmem:s19+$0x30];
	[tilespmem:s18+$0xB0] =	vst v12  }
0x279: {  	v45 =	vmul.f32 $1.131370830e+01, v39;
	[tilespmem:s13+$0xFFFFFFD0] =	vst v5;
	v46 =	vld [tilespmem:s19+$0xC0]  }
0x27a: {  	v5 =	vadd.f32 v8, v6;
	v6 =	vld [tilespmem:s20+$0xFFFFFFE0];
	v9 =	vadd.f32 v42, v9  }
0x27b: {  	v17 =	vmul.f32 $1.131370830e+01, v40;
	v11 =	vld [tilespmem:s18+$0xFFFFFF40];
	v12 =	vadd.f32 v43, v45  }
0x27c: {  	v8 =	vld [tilespmem:s13+$0xF0];
	[tilespmem:s18+$0xFFFFFF30] =	vst v9;
	v9 =	vmul.f32 $1.131370830e+01, v10  }
0x27d: {  	v13 =	vadd.f32 v44, v17;
	v10 =	vld [tilespmem:s19+$0xFFFFFF40];
	[tilespmem:s18+$0xFFFFFFB0] =	vst v12  }
0x27e: {  	[tilespmem:s13+$0x50] =	vst v5;
	v50 =	vld [tilespmem:s19+$0xFFFFFFC0];
	v9 =	vadd.f32 v46, v9  }
0x27f: {  	v7 =	vld [tilespmem:s20+$0x60];
	[tilespmem:s18+$0x30] =	vst v13  }
0x280: {  	v11 =	vmul.f32 $1.131370830e+01, v11;
	v52 =	vld [tilespmem:s19+$0x40];
	[tilespmem:s18+$0xC0] =	vst v9  }
0x281: {  	v9 =	vmul.f32 $1.131370830e+01, v47;
	v53 =	vld [tilespmem:s19+$0xD0]  }
0x282: {  	v1 =	vld [tilespmem:s13+$0xFFFFFFF0];
	v10 =	vadd.f32 v10, v11  }
0x283: {  	v16 =	vmul.f32 $1.131370830e+01, v48;
	[tilespmem:s13+$0xE0] =	vst v0;
	v0 =	vld [tilespmem:s13+$0x70];
	v9 =	vadd.f32 v50, v9  }
0x284: {  	v11 =	vld [tilespmem:s18+$0xFFFFFFD0];
	[tilespmem:s18+$0xFFFFFF40] =	vst v10;
	v10 =	vmul.f32 $1.131370830e+01, v51  }
0x285: {  	v14 =	vadd.f32 v52, v16;
	v55 =	vld [tilespmem:s19+$0xFFFFFF50];
	[tilespmem:s18+$0xFFFFFFC0] =	vst v9  }
0x286: {  	v56 =	vld [tilespmem:s19+$0xFFFFFFD0];
	v10 =	vadd.f32 v53, v10  }
0x287: {  	v2 =	vmul.f32 $1.131370830e+01, v2;
	v5 =	vld [tilespmem:s20+$0xF0];
	[tilespmem:s18+$0x40] =	vst v14  }
0x288: {  	v12 =	vmul.f32 $1.131370830e+01, v49;
	v58 =	vld [tilespmem:s19+$0x50];
	[tilespmem:s18+$0xD0] =	vst v10  }
0x289: {  	v2 =	vadd.f32 v6, v2;
	v10 =	vmul.f32 $1.131370830e+01, v11;
	v11 =	vld [tilespmem:s19+$0xE0]  }
0x28a: {  	v6 =	vld [tilespmem:s20+$0xFFFFFF70];
	v12 =	vadd.f32 v55, v12  }
0x28b: {  	[tilespmem:s13+$0xFFFFFFE0] =	vst v2;
	v17 =	vmul.f32 $1.131370830e+01, v54;
	v9 =	vld [tilespmem:s18+$0xFFFFFF60];
	v10 =	vadd.f32 v56, v10  }
0x28c: {  	v2 =	vld [tilespmem:s20+$0xFFFFFFF0];
	v14 =	vmul.f32 $1.131370830e+01, v57;
	[tilespmem:s18+$0xFFFFFF50] =	vst v12  }
0x28d: {  	v3 =	vmul.f32 $1.131370830e+01, v3;
	v62 =	vld [tilespmem:s19+$0xFFFFFF60];
	[tilespmem:s18+$0xFFFFFFD0] =	vst v10;
	v10 =	vadd.f32 v58, v17  }
0x28e: {  	v8 =	vmul.f32 $1.131370830e+01, v8;
	v63 =	vld [tilespmem:s19+$0xFFFFFFE0];
	v11 =	vadd.f32 v11, v14  }
0x28f: {  	v4 =	vmul.f32 $1.131370830e+01, v4;
	v3 =	vadd.f32 v7, v3;
	v7 =	vld [tilespmem:s18+$0xF0];
	[tilespmem:s18+$0x50] =	vst v10  }
0x290: {  	v5 =	vadd.f32 v5, v8;
	v8 =	vmul.f32 $1.131370830e+01, v9;
	v9 =	vld [tilespmem:s19+$0x60];
	[tilespmem:s18+$0xE0] =	vst v11  }
0x291: {  	[tilespmem:s13+$0x60] =	vst v3;
	v3 =	vadd.f32 v6, v4;
	v6 =	vmul.f32 $1.131370830e+01, v59;
	v10 =	vld [tilespmem:s19+$0xF0]  }
0x292: {  	v1 =	vmul.f32 $1.131370830e+01, v1;
	[tilespmem:s13+$0xF0] =	vst v5;
	v4 =	vld [tilespmem:s18+$0xFFFFFFF0];
	v5 =	vadd.f32 v62, v8  }
0x293: {  	[tilespmem:s13+$0xFFFFFF70] =	vst v3;
	v3 =	vld [tilespmem:s18+$0x70];
	v8 =	vmul.f32 $1.131370830e+01, v60;
	v6 =	vadd.f32 v63, v6  }
0x294: {  	v1 =	vadd.f32 v2, v1;
	v7 =	vmul.f32 $1.131370830e+01, v7;
	v2 =	vld [tilespmem:s20+$0x70];
	[tilespmem:s18+$0xFFFFFF60] =	vst v5  }
0x295: {  	v5 =	vld [tilespmem:s19+$0xFFFFFF70];
	[tilespmem:s18+$0xFFFFFFE0] =	vst v6;
	v8 =	vadd.f32 v9, v8  }
0x296: {  	s22 =	simm.s32 $0xD300;
	s21 =	simm.s32 $0x13500;
	v0 =	vmul.f32 $1.131370830e+01, v0;
	s20 =	simm.s32 $0x4;
	[tilespmem:s13+$0xFFFFFFF0] =	vst v1;
	v1 =	vmul.f32 $1.131370830e+01, v61;
	v6 =	vld [tilespmem:s19+$0xFFFFFFF0];
	v7 =	vadd.f32 v10, v7  }
.LBB2_8:
0x297: {  	v9 =	vld [tilespmem:s22+$0x80];
	s20 =	sadd.s32 $0x4, s20;
	v4 =	vmul.f32 $1.131370830e+01, v4;
	[tilespmem:s18+$0x60] =	vst v8  }
0x298: {  	s19 =	sadd.s32 $0x200, s19;
	v8 =	vld [tilespmem:s22+$0xFFFFFF80];
	p0 =	slt.u32 s20, $0xC4;
	v3 =	vmul.f32 $1.131370830e+01, v3;
	[tilespmem:s18+$0xF0] =	vst v7  }
0x299: {  	v7 =	vld [tilespmem:s19+$0x80];
	v2 =	vadd.f32 v2, v0  }
0x29a: {  	v10 =	vld [tilespmem:s22+$0x0];
	v1 =	vadd.f32 v5, v1;
	v0 =	vmov v3  }
0x29b: {  	v3 =	vld [tilespmem:s22+$0xFFFFFF00];
	v4 =	vadd.f32 v6, v4;
	[tilespmem:s13+$0x70] =	vst v2;
	s13 =	smov.u32 s18;
	s18 =	smov.u32 s22  }
0x29c: {  	v2 =	vld [tilespmem:s19+$0xFFFFFF00];
	v5 =	vmul.f32 $1.131370830e+01, v9;
	[tilespmem:s13+$0xFFFFFF70] =	vst v1  }
0x29d: {  	v1 =	vmul.f32 $1.131370830e+01, v8;
	v6 =	vld [tilespmem:s19+$0xFFFFFF80];
	[tilespmem:s13+$0xFFFFFFF0] =	vst v4  }
0x29e: {  	v4 =	vld [tilespmem:s19+$0x0];
	v5 =	vadd.f32 v7, v5  }
0x29f: {  	v7 =	vmul.f32 $1.131370830e+01, v10;
	v8 =	vld [tilespmem:s22+$0x90]  }
0x2a0: {  	v3 =	vmul.f32 $1.131370830e+01, v3;
	v9 =	vld [tilespmem:s22+$0xFFFFFF10];
	[tilespmem:s22+$0x80] =	vst v5  }
0x2a1: {  	v5 =	vld [tilespmem:s19+$0x90]  }
0x2a2: {  	v2 =	vadd.f32 v2, v3;
	v1 =	vadd.f32 v6, v1;
	v3 =	vld [tilespmem:s22+$0xFFFFFF90]  }
0x2a3: {  	v4 =	vadd.f32 v4, v7;
	v6 =	vld [tilespmem:s22+$0x10]  }
0x2a4: {  	[tilespmem:s22+$0xFFFFFF00] =	vst v2;
	v2 =	vld [tilespmem:s22+$0xFFFFFF20];
	v7 =	vmul.f32 $1.131370830e+01, v8  }
0x2a5: {  	v8 =	vmul.f32 $1.131370830e+01, v9;
	v9 =	vld [tilespmem:s19+$0xFFFFFF10];
	[tilespmem:s22+$0xFFFFFF80] =	vst v1  }
0x2a6: {  	v1 =	vld [tilespmem:s19+$0xFFFFFF90];
	[tilespmem:s22+$0x0] =	vst v4;
	v4 =	vadd.f32 v5, v7  }
0x2a7: {  	v3 =	vmul.f32 $1.131370830e+01, v3;
	v5 =	vld [tilespmem:s22+$0xA0]  }
0x2a8: {  	v6 =	vmul.f32 $1.131370830e+01, v6;
	v7 =	vld [tilespmem:s19+$0x10];
	[tilespmem:s22+$0x90] =	vst v4  }
0x2a9: {  	v2 =	vmul.f32 $1.131370830e+01, v2;
	v4 =	vld [tilespmem:s19+$0xA0]  }
0x2aa: {  	v8 =	vadd.f32 v9, v8;
	v9 =	vld [tilespmem:s22+$0xFFFFFFA0]  }
0x2ab: {  	v1 =	vadd.f32 v1, v3;
	v3 =	vld [tilespmem:s22+$0x20]  }
0x2ac: {  	[tilespmem:s22+$0xFFFFFF10] =	vst v8;
	v8 =	vld [tilespmem:s22+$0xFFFFFF30];
	v5 =	vmul.f32 $1.131370830e+01, v5  }
0x2ad: {  	v10 =	vld [tilespmem:s19+$0xFFFFFF20];
	[tilespmem:s22+$0xFFFFFF90] =	vst v1;
	v1 =	vadd.f32 v7, v6  }
0x2ae: {  	v6 =	vld [tilespmem:s19+$0xFFFFFFA0];
	v4 =	vadd.f32 v4, v5  }
0x2af: {  	v5 =	vmul.f32 $1.131370830e+01, v9;
	[tilespmem:s22+$0x10] =	vst v1;
	v1 =	vld [tilespmem:s22+$0xB0]  }
0x2b0: {  	v3 =	vmul.f32 $1.131370830e+01, v3;
	v7 =	vld [tilespmem:s19+$0x20];
	[tilespmem:s22+$0xA0] =	vst v4  }
0x2b1: {  	v4 =	vmul.f32 $1.131370830e+01, v8;
	v8 =	vld [tilespmem:s19+$0xB0]  }
0x2b2: {  	v2 =	vadd.f32 v10, v2;
	v9 =	vld [tilespmem:s22+$0xFFFFFFB0]  }
0x2b3: {  	v5 =	vadd.f32 v6, v5;
	v6 =	vld [tilespmem:s22+$0x30]  }
0x2b4: {  	[tilespmem:s22+$0xFFFFFF20] =	vst v2;
	v2 =	vld [tilespmem:s22+$0xFFFFFF40];
	v1 =	vmul.f32 $1.131370830e+01, v1  }
0x2b5: {  	v10 =	vld [tilespmem:s19+$0xFFFFFF30];
	[tilespmem:s22+$0xFFFFFFA0] =	vst v5;
	v3 =	vadd.f32 v7, v3  }
0x2b6: {  	v5 =	vld [tilespmem:s19+$0xFFFFFFB0];
	v1 =	vadd.f32 v8, v1  }
0x2b7: {  	v7 =	vmul.f32 $1.131370830e+01, v9;
	[tilespmem:s22+$0x20] =	vst v3;
	v3 =	vld [tilespmem:s22+$0xC0]  }
0x2b8: {  	v6 =	vmul.f32 $1.131370830e+01, v6;
	v8 =	vld [tilespmem:s19+$0x30];
	[tilespmem:s22+$0xB0] =	vst v1  }
0x2b9: {  	v1 =	vmul.f32 $1.131370830e+01, v2;
	v2 =	vld [tilespmem:s19+$0xC0]  }
0x2ba: {  	v4 =	vadd.f32 v10, v4;
	v9 =	vld [tilespmem:s22+$0xFFFFFFC0]  }
0x2bb: {  	v5 =	vadd.f32 v5, v7;
	v7 =	vld [tilespmem:s22+$0x40]  }
0x2bc: {  	[tilespmem:s22+$0xFFFFFF30] =	vst v4;
	v4 =	vld [tilespmem:s22+$0xFFFFFF50];
	v3 =	vmul.f32 $1.131370830e+01, v3  }
0x2bd: {  	v10 =	vld [tilespmem:s19+$0xFFFFFF40];
	[tilespmem:s22+$0xFFFFFFB0] =	vst v5;
	v5 =	vadd.f32 v8, v6  }
0x2be: {  	v6 =	vld [tilespmem:s19+$0xFFFFFFC0];
	v2 =	vadd.f32 v2, v3  }
0x2bf: {  	v3 =	vmul.f32 $1.131370830e+01, v9;
	[tilespmem:s22+$0x30] =	vst v5;
	v5 =	vld [tilespmem:s22+$0xD0]  }
0x2c0: {  	v7 =	vmul.f32 $1.131370830e+01, v7;
	v8 =	vld [tilespmem:s19+$0x40];
	[tilespmem:s22+$0xC0] =	vst v2  }
0x2c1: {  	v2 =	vmul.f32 $1.131370830e+01, v4;
	v4 =	vld [tilespmem:s19+$0xD0]  }
0x2c2: {  	v1 =	vadd.f32 v10, v1;
	v9 =	vld [tilespmem:s22+$0xFFFFFFD0]  }
0x2c3: {  	v3 =	vadd.f32 v6, v3;
	v6 =	vld [tilespmem:s22+$0x50]  }
0x2c4: {  	[tilespmem:s22+$0xFFFFFF40] =	vst v1;
	v1 =	vld [tilespmem:s22+$0xFFFFFF60];
	v5 =	vmul.f32 $1.131370830e+01, v5  }
0x2c5: {  	v10 =	vld [tilespmem:s19+$0xFFFFFF50];
	[tilespmem:s22+$0xFFFFFFC0] =	vst v3;
	v3 =	vadd.f32 v8, v7  }
0x2c6: {  	v7 =	vld [tilespmem:s19+$0xFFFFFFD0];
	v4 =	vadd.f32 v4, v5  }
0x2c7: {  	v5 =	vmul.f32 $1.131370830e+01, v9;
	[tilespmem:s22+$0x40] =	vst v3;
	v3 =	vld [tilespmem:s22+$0xE0]  }
0x2c8: {  	v6 =	vmul.f32 $1.131370830e+01, v6;
	v8 =	vld [tilespmem:s19+$0x50];
	[tilespmem:s22+$0xD0] =	vst v4  }
0x2c9: {  	v4 =	vmul.f32 $1.131370830e+01, v1;
	v1 =	vld [tilespmem:s19+$0xE0]  }
0x2ca: {  	v2 =	vadd.f32 v10, v2;
	v9 =	vld [tilespmem:s22+$0xFFFFFFE0]  }
0x2cb: {  	v5 =	vadd.f32 v7, v5;
	v7 =	vld [tilespmem:s22+$0x60]  }
0x2cc: {  	[tilespmem:s22+$0xFFFFFF50] =	vst v2;
	v2 =	vld [tilespmem:s22+$0xFFFFFF70];
	v3 =	vmul.f32 $1.131370830e+01, v3  }
0x2cd: {  	v10 =	vld [tilespmem:s19+$0xFFFFFF60];
	[tilespmem:s22+$0xFFFFFFD0] =	vst v5;
	v5 =	vadd.f32 v8, v6  }
0x2ce: {  	v6 =	vld [tilespmem:s19+$0xFFFFFFE0];
	v1 =	vadd.f32 v1, v3  }
0x2cf: {  	v3 =	vmul.f32 $1.131370830e+01, v9;
	[tilespmem:s22+$0x50] =	vst v5;
	v5 =	vld [tilespmem:s22+$0xF0]  }
0x2d0: {  	v7 =	vmul.f32 $1.131370830e+01, v7;
	v8 =	vld [tilespmem:s19+$0x60];
	[tilespmem:s22+$0xE0] =	vst v1  }
0x2d1: {  	v1 =	vmul.f32 $1.131370830e+01, v2;
	v9 =	vld [tilespmem:s19+$0xF0]  }
.Ltmp5:
0x2d2: {  	v2 =	vadd.f32 v10, v4;
	v4 =	vld [tilespmem:s22+$0xFFFFFFF0];
	(pc) =	sbr.rel @p0 .LBB2_8-.Ltmp5, $4  }
0x2d3: {  	v6 =	vadd.f32 v6, v3;
	v3 =	vld [tilespmem:s22+$0x70]  }
0x2d4: {  	[tilespmem:s22+$0xFFFFFF60] =	vst v2;
	v10 =	vmul.f32 $1.131370830e+01, v5;
	v2 =	vld [tilespmem:s21+$0x70];
	s21 =	smov.u32 s19  }
0x2d5: {  	v5 =	vld [tilespmem:s19+$0xFFFFFF70];
	[tilespmem:s22+$0xFFFFFFE0] =	vst v6;
	v8 =	vadd.f32 v8, v7  }
0x2d6: {  	s22 =	sadd.s32 $0x200, s22;
	v6 =	vld [tilespmem:s19+$0xFFFFFFF0];
	v7 =	vadd.f32 v9, v10  }
0x2d7: {  	[tilespmem:s18+$0x60] =	vst v8  }
0x2d8: {  	v8 =	vld [tilespmem:s21+$0x70];
	_ =	sdelay $0x1  }
0x2d9: {  	v4 =	vmul.f32 $1.131370830e+01, v4;
	v0 =	vadd.f32 v2, v0  }
0x2da: {  	v61 =	vmul.f32 $1.131370830e+01, v3;
	[tilespmem:s18+$0xF0] =	vst v7;
	v1 =	vadd.f32 v5, v1  }
.Ltmp6:
0x2db: {  	v62 =	vadd.f32 v6, v4;
	[tilespmem:s13+$0x70] =	vst v0;
	(pc) =	sbr.rel .LBB2_2-.Ltmp6, $4  }
0x2dc: {  	s6 =	smul.u32 $0xC80, s6;
	[tilespmem:s18+$0xFFFFFF70] =	vst v1;
	v63 =	vadd.f32 v8, v61  }
0x2dd: {  	[tilespmem:s18+$0xFFFFFFF0] =	vst v62  }
0x2de: {  	s23 =	simm.s32 $0xCE00;
	s8 =	sadd.s32 $0x1, s8;
	s6 =	sadd.s32 s3, s6;
	[tilespmem:s18+$0x70] =	vst v63  }
0x2df: {  	[hbm4b:s6+s4] =	stream.linear.scatter [tilespmem:s23], [sflag:$0x9], $0x6400, $0x38;
	[tilespmem:$0x19600] =	vst v63  }
.LBB2_11:
0x2e0: {  	_ =	sfence.sel $0x180000  }
0x2e1: {  	[bflag:$0x0] =	sbarrier.arrive $0xFFFF  }
0x2e2: {  	_ =	strace $0x90000047  }
0x2e3: {  	s0 =	stileid.u32;
	[bflag:$0x2] =	sbarrier.arrive $0xFFFF  }
0x2e4: {  	p0 =	sne.s32 s0, $0x0;
	s0 =	rddreg [dreg:$0x3]  }
0x2e5: {  	s0 =	sadd.s32 @!p0 $0x100000, s0  }
0x2e6: {  	[sflag:s0] =	ssyncadd.tile.s32 @!p0 $0x1;
	_ =	shalt  }
.Lfunc_end2:
_tile_overlayer_lowered:
.L_overlay_start_2:
0x2e7: {  	(tag) =	ssettag $0x2  }
0x2e8: {  	s0 =	rddreg [dreg:$0x0];
	s2 =	stileid.u32  }
0x2e9: {  	s1 =	rddreg [dreg:$0x1];
	p0 =	sne.s32 s2, $0x0  }
0x2ea: {  	s3 =	rddreg [dreg:$0x2];
	[bflag:$0x3] =	sbarrier.arrive $0xFFFF;
	s2 =	simm.s32 @!p0 $0x1C0A  }
0x2eb: {  	[timem:s3], [sflag:s2] =	dma.local @!p0 [hbm:s0], s1  }
0x2ec: {  	s0 =	simm.s32 @!p0 $0xA  }
0x2ed: {  	_ =	swait.ge @!p0 [sflag:s0], s1  }
0x2ee: {  	s1 =	ssub.s32 @!p0 $0x0, s1;
	[sflag:s0] =	ssyncset.done @!p0 $0x0  }
0x2ef: {  	[sflag:s0] =	ssyncadd.s32 @!p0 s1  }
0x2f0: {  	[bflag:$0x3] =	sbarrier.arrive $0xFFFF  }
0x2f1: {  	_ =	shalt  }

</sc_bundles>
